<compile_context>
chip_gen: v7x
topology: tpu7x:2x2x1
jax: 0.10.2.dev20260603
libtpu: 0.0.44.dev20260713+nightly
codegen_flags: <defaults>
</compile_context>

<pallas_src>
import functools

import jax
import jax.numpy as jnp
from jax import lax
from jax.experimental import pallas as pl
from jax.experimental.pallas import tpu as pltpu
from jax.experimental.pallas import tpu_sc as plsc

R, S, K, KNN, DF = 1024, 4, 100000, 8, 32
Q = R * S
TP = 2048
KPAD = 100352
NPT = KPAD // TP
BQ = 256
NQB = Q // BQ
QK = Q * KNN
D_TAB = 48
BQ3 = 512
IMAX = 2147483647



def _topk_body(q_ref, pt_ref, idx_ref, d2_ref, rkey_ref, rgidx_ref):
    pt = pl.program_id(1)

    @pl.when(pt == 0)
    def _init():
        rkey_ref[...] = jnp.full((BQ, KNN), IMAX, jnp.int32)
        rgidx_ref[...] = jnp.zeros((BQ, KNN), jnp.int32)

    q = q_ref[...]
    p = pt_ref[...]
    q2 = jnp.sum(q * q, axis=1, keepdims=True)
    p2 = jnp.sum(p * p, axis=0, keepdims=True)
    qp = jnp.dot(q.astype(jnp.bfloat16), p.astype(jnp.bfloat16),
                 preferred_element_type=jnp.float32)
    d2 = (q2 - 2.0 * qp) + p2

    lane = lax.broadcasted_iota(jnp.int32, (1, TP), 1)
    b = lax.bitcast_convert_type(d2, jnp.int32)
    key = b ^ ((b >> 31) & 0x7FFFFFFF)

    kcols, icols = [], []
    for _ in range(KNN):
        m = jnp.min(key, axis=1, keepdims=True)
        pos = jnp.min(jnp.where(key == m, lane, IMAX), axis=1, keepdims=True)
        kcols.append(m)
        icols.append(pos)
        key = jnp.where(lane == pos, IMAX, key)
    t8k = jnp.concatenate(kcols, axis=1)
    t8i = jnp.concatenate(icols, axis=1) + pt * TP

    comb_k = jnp.concatenate([rkey_ref[...], t8k], axis=1)
    comb_g = jnp.concatenate([rgidx_ref[...], t8i], axis=1)
    i16 = lax.broadcasted_iota(jnp.int32, (1, 2 * KNN), 1)
    nk, ng = [], []
    for _ in range(KNN):
        m = jnp.min(comb_k, axis=1, keepdims=True)
        pos = jnp.min(jnp.where(comb_k == m, i16, 99),
                      axis=1, keepdims=True)
        sel = i16 == pos
        nk.append(m)
        ng.append(jnp.min(jnp.where(sel, comb_g, IMAX), axis=1, keepdims=True))
        comb_k = jnp.where(sel, IMAX, comb_k)
    rkey_ref[...] = jnp.concatenate(nk, axis=1)
    rgidx_ref[...] = jnp.concatenate(ng, axis=1)

    @pl.when(pt == NPT - 1)
    def _flush():
        idx_ref[...] = rgidx_ref[...]
        kk = rkey_ref[...]
        d2_ref[...] = lax.bitcast_convert_type(
            kk ^ ((kk >> 31) & 0x7FFFFFFF), jnp.float32)


def _topk(queries, p_t):
    return pl.pallas_call(
        _topk_body,
        grid=(NQB, NPT),
        in_specs=[
            pl.BlockSpec((BQ, 3), lambda qb, pt: (qb, 0)),
            pl.BlockSpec((3, TP), lambda qb, pt: (0, pt)),
        ],
        out_specs=[pl.BlockSpec((BQ, KNN), lambda qb, pt: (qb, 0)),
                   pl.BlockSpec((BQ, KNN), lambda qb, pt: (qb, 0))],
        out_shape=[jax.ShapeDtypeStruct((Q, KNN), jnp.int32),
                   jax.ShapeDtypeStruct((Q, KNN), jnp.float32)],
        scratch_shapes=[pltpu.VMEM((BQ, KNN), jnp.int32),
                        pltpu.VMEM((BQ, KNN), jnp.int32)],
    )(queries, p_t)



def _make_sc_gather():
    info = plsc.get_sparse_core_info()
    nw = info.num_cores * info.num_subcores
    b_per_w = QK // nw
    mesh = plsc.VectorSubcoreMesh(core_axis_name="c", subcore_axis_name="s")

    @functools.partial(
        pl.kernel, mesh=mesh,
        compiler_params=pltpu.CompilerParams(use_tc_tiling_on_sc=False),
        out_type=jax.ShapeDtypeStruct((QK, D_TAB), jnp.float32),
        scratch_types=[
            pltpu.VMEM((b_per_w,), jnp.int32),
            pltpu.VMEM((b_per_w, D_TAB), jnp.float32),
            pltpu.SemaphoreType.DMA,
        ],
    )
    def gather_k(table_hbm, idx_hbm, out_hbm, idx_v, rows_v, sem):
        wid = lax.axis_index("s") * info.num_cores + lax.axis_index("c")
        base = wid * b_per_w
        pltpu.sync_copy(idx_hbm.at[pl.ds(base, b_per_w)], idx_v)
        pltpu.async_copy(table_hbm.at[idx_v], rows_v, sem).wait()
        pltpu.sync_copy(rows_v, out_hbm.at[pl.ds(base, b_per_w)])

    return gather_k


def _sc_gather(table, flat_idx):
    return _make_sc_gather()(table, flat_idx)



def _mlp_body(g_ref, qrep_ref, d2_ref, rays_ref, w1_ref, b1_ref, wa_ref,
              ba_ref, wc_ref, bc_ref, sigma_ref, color_ref):
    g = g_ref[...]
    qrep = qrep_ref[...]
    nb_feat = g[:, :DF]
    nb_xyz = g[:, DF:DF + 3]
    nb_rgb = g[:, DF + 3:DF + 6]
    rel = nb_xyz - qrep
    d2 = d2_ref[...]
    dist = jnp.sqrt(jnp.maximum(d2, 1e-12))
    w = 1.0 / (dist + 1e-8)

    feats = jnp.concatenate([nb_feat, nb_rgb, rel], axis=1)
    h = jnp.dot(feats.astype(jnp.bfloat16), w1_ref[...].astype(jnp.bfloat16),
                preferred_element_type=jnp.float32)
    h = jnp.maximum(h + b1_ref[...], 0.0)

    wh = (w * h).reshape(BQ3, KNN, 64)
    agg = jnp.sum(wh, axis=1)
    wsum = jnp.sum(w.reshape(BQ3, KNN, 1), axis=1)
    agg = agg / wsum

    sp = jnp.dot(agg.astype(jnp.bfloat16), wa_ref[...].astype(jnp.bfloat16),
                 preferred_element_type=jnp.float32)
    sp = sp + ba_ref[...]
    sigma_ref[...] = jnp.maximum(sp, 0.0) + jnp.log(1.0 + jnp.exp(-jnp.abs(sp)))

    rays = rays_ref[...]
    dirs = rays / (jnp.sqrt(jnp.sum(rays * rays, axis=1, keepdims=True)) + 1e-8)
    cin = jnp.concatenate([agg, dirs], axis=1)
    cl = jnp.dot(cin.astype(jnp.bfloat16), wc_ref[...].astype(jnp.bfloat16),
                 preferred_element_type=jnp.float32)
    cl = cl + bc_ref[...]
    color_ref[...] = 1.0 / (1.0 + jnp.exp(-cl))


def _mlp(rows, qrep, d2sel, raysrep, w1, b1, wa, ba, wc, bc):
    full = lambda shape: pl.BlockSpec(shape, lambda i: (0, 0))
    return pl.pallas_call(
        _mlp_body,
        grid=(Q // BQ3,),
        in_specs=[
            pl.BlockSpec((BQ3 * KNN, D_TAB), lambda i: (i, 0)),
            pl.BlockSpec((BQ3 * KNN, 3), lambda i: (i, 0)),
            pl.BlockSpec((BQ3 * KNN, 1), lambda i: (i, 0)),
            pl.BlockSpec((BQ3, 3), lambda i: (i, 0)),
            full((DF + 6, 64)), full((1, 64)), full((64, 1)), full((1, 1)),
            full((64 + 3, 3)), full((1, 3)),
        ],
        out_specs=[pl.BlockSpec((BQ3, 1), lambda i: (i, 0)),
                   pl.BlockSpec((BQ3, 3), lambda i: (i, 0))],
        out_shape=[jax.ShapeDtypeStruct((Q, 1), jnp.float32),
                   jax.ShapeDtypeStruct((Q, 3), jnp.float32)],
    )(rows, qrep, d2sel, raysrep, w1, b1, wa, ba, wc, bc)



def _render_body(t_ref, sig_ref, col_ref, out_ref):
    t = jnp.clip(t_ref[...], 0.0, 1e6)
    c = [t[:, i:i + 1] for i in range(S)]

    def mnmx(a, b):
        return jnp.minimum(a, b), jnp.maximum(a, b)

    c0, c1 = mnmx(c[0], c[1])
    c2, c3 = mnmx(c[2], c[3])
    c0, c2 = mnmx(c0, c2)
    c1, c3 = mnmx(c1, c3)
    c1, c2 = mnmx(c1, c2)

    deltas = [c1 - c0, c2 - c1, c3 - c2, jnp.full((R, 1), 10.0, jnp.float32)]
    sig = sig_ref[...]
    alphas = [1.0 - jnp.exp(-sig[:, i:i + 1] * deltas[i]) for i in range(S)]
    trans = jnp.ones((R, 1), jnp.float32)
    col = col_ref[...]
    rgb = jnp.zeros((R, 3), jnp.float32)
    wsum = jnp.zeros((R, 1), jnp.float32)
    for i in range(S):
        w_i = alphas[i] * trans
        rgb = rgb + w_i * col[:, 3 * i:3 * i + 3]
        wsum = wsum + w_i
        trans = trans * (1.0 - alphas[i] + 1e-10)
    out_ref[...] = rgb + (1.0 - wsum)


def _render(sample_t, sig_rs, col_rs):
    return pl.pallas_call(
        _render_body,
        out_shape=jax.ShapeDtypeStruct((R, 3), jnp.float32),
    )(sample_t, sig_rs, col_rs)



def kernel(queries, sample_t, rays_d, point_xyz, point_feat, point_rgb,
           W1, b1, Wa, ba, Wc, bc):
    pad = jnp.full((KPAD - K, 3), 1e6, jnp.float32)
    p_t = jnp.concatenate([point_xyz, pad], axis=0).T
    idx, d2sel = _topk(queries, p_t)

    table = jnp.concatenate(
        [point_feat, point_xyz, point_rgb,
         jnp.zeros((K, D_TAB - DF - 6), jnp.float32)], axis=1)
    rows = _sc_gather(table, idx.reshape(-1))

    qrep = jnp.repeat(queries, KNN, axis=0)
    raysrep = jnp.repeat(rays_d, S, axis=0)
    sigma, color = _mlp(rows, qrep, d2sel.reshape(QK, 1), raysrep,
                        W1, b1.reshape(1, 64), Wa, ba.reshape(1, 1),
                        Wc, bc.reshape(1, 3))
    return _render(sample_t, sigma.reshape(R, S), color.reshape(R, S * 3))

# --- scband reference (transcript-rebuilt; emitter-appended) ---
"""Pipeline reference for scband-epcq-39281770889637 (READ-ONLY COPY).

The authoritative reference and input builder live on the scoring server;
editing this copy changes nothing except your own understanding.
"""

import jax, jax.numpy as jnp
import numpy as np

R, S, K, KNN, DF, CHUNK = 1024, 4, 100000, 8, 32, 512


def setup_inputs(seed: int = 0) -> dict:
    key = jax.random.key(seed)
    ks = jax.random.split(key, 10)
    queries = jax.random.normal(ks[0], (R * S, 3), jnp.float32)
    sample_t = jax.random.uniform(ks[1], (R, S), jnp.float32)
    rays_d = jax.random.normal(ks[2], (R, 3), jnp.float32)
    point_xyz = jax.random.normal(ks[3], (K, 3), jnp.float32)
    point_feat = jax.random.normal(ks[4], (K, DF), jnp.float32)
    point_rgb = jax.random.uniform(ks[5], (K, 3), jnp.float32)
    W1 = jax.random.normal(ks[6], (DF + 6, 64), jnp.float32) * 0.1
    b1 = jnp.zeros((64,), jnp.float32)
    Wa = jax.random.normal(ks[7], (64, 1), jnp.float32) * 0.1
    ba = jnp.zeros((1,), jnp.float32)
    Wc = jax.random.normal(ks[8], (64 + 3, 3), jnp.float32) * 0.1
    bc = jnp.zeros((3,), jnp.float32)
    return {"queries": queries, "sample_t": sample_t, "rays_d": rays_d,
            "point_xyz": point_xyz, "point_feat": point_feat, "point_rgb": point_rgb,
            "W1": W1, "b1": b1, "Wa": Wa, "ba": ba, "Wc": Wc, "bc": bc}


def _knn(queries, point_xyz, k, chunk):
    # brute-force chunked top-k nearest neighbor search (EPCQ point query)
    pk2 = jnp.sum(point_xyz * point_xyz, axis=1)[None, :]
    dists, idxs = [], []
    for i in range(0, queries.shape[0], chunk):
        q = queries[i:i + chunk]
        d2 = jnp.sum(q * q, axis=1, keepdims=True) - 2.0 * (q @ point_xyz.T) + pk2
        neg_d, idx = jax.lax.top_k(-d2, k)
        dists.append(-neg_d)
        idxs.append(idx)
    return jnp.concatenate(dists, axis=0), jnp.concatenate(idxs, axis=0)


def reference(queries, sample_t, rays_d, point_xyz, point_feat, point_rgb,
              W1, b1, Wa, ba, Wc, bc):
    # --- feature_query: kNN retrieval + neighbor gather ---
    d2, idx = _knn(queries, point_xyz, KNN, CHUNK)          # [Q,KNN]
    nb_xyz = jnp.take(point_xyz, idx, axis=0)               # [Q,KNN,3]
    nb_feat = jnp.take(point_feat, idx, axis=0)             # [Q,KNN,DF]
    nb_rgb = jnp.take(point_rgb, idx, axis=0)               # [Q,KNN,3]
    rel = nb_xyz - queries[:, None, :]
    dist = jnp.sqrt(jnp.maximum(d2, 1e-12))
    w = 1.0 / (dist + 1e-8)
    w = w / jnp.sum(w, axis=1, keepdims=True)               # inv-dist weights
    # --- aggregator ---
    feats = jnp.concatenate([nb_feat, nb_rgb, rel], axis=-1)  # [Q,KNN,DF+6]
    h = jax.nn.relu(feats @ W1 + b1)                          # [Q,KNN,64]
    agg = jnp.sum(w[..., None] * h, axis=1)                   # [Q,64]
    sigma = jax.nn.softplus(agg @ Wa + ba)[:, 0]               # [Q]
    dirs = rays_d / (jnp.linalg.norm(rays_d, axis=1, keepdims=True) + 1e-8)
    dirs = jnp.repeat(dirs, S, axis=0)                         # [Q,3]
    color = jax.nn.sigmoid(jnp.concatenate([agg, dirs], axis=-1) @ Wc + bc)  # [Q,3]
    # --- volume rendering (clamp_t + render, white_bg=True) ---
    t = jnp.clip(jnp.sort(sample_t, axis=1), 0.0, 1e6)        # [R,S]
    deltas = jnp.concatenate([t[:, 1:] - t[:, :-1], jnp.full((R, 1), 10.0)], axis=1)
    sigma = sigma.reshape(R, S)
    color = color.reshape(R, S, 3)
    alpha = 1.0 - jnp.exp(-sigma * deltas)                     # [R,S]
    trans = jnp.cumprod(1.0 - alpha + 1e-10, axis=1)
    trans = jnp.concatenate([jnp.ones((R, 1)), trans[:, :-1]], axis=1)
    w_r = alpha * trans                                        # [R,S]
    rgb = jnp.sum(w_r[..., None] * color, axis=1)
    rgb_final = rgb + (1.0 - jnp.sum(w_r, axis=1))[:, None] * 1.0
    return rgb_final

if __name__ == "__main__":
    import jax
    _d = setup_inputs()
    print(jax.jit(kernel)(*tuple(_d.values())))

</pallas_src>

<mosaic_0001>
#map = affine_map<(d0, d1) -> (0, 0)>
#map1 = affine_map<(d0, d1) -> (0)>
module attributes {stable_mosaic.version = 14 : i64} {
  func.func @gather_k(%arg0: i32, %arg1: i32, %arg2: memref<100000x48xf32, #tpu.memory_space<hbm>>, %arg3: memref<32768xi32, #tpu.memory_space<hbm>>, %arg4: memref<32768x48xf32, #tpu.memory_space<hbm>>, %arg5: memref<1024xi32, #tpu.memory_space<vmem>>, %arg6: memref<1024x48xf32, #tpu.memory_space<vmem>>, %arg7: memref<!tpu.dma_semaphore, #tpu.memory_space<semaphore_mem>>) attributes {dimension_semantics = [#tpu.dimension_semantics<core_parallel>, #tpu.dimension_semantics<subcore_parallel>], iteration_bounds = array<i64: 2, 16>, scalar_prefetch = 0 : i64, scratch_operands = 3 : i64, tpu.core_type = #tpu.core_type<sc_vector_subcore>, window_params = [{transform_indices = #map}, {transform_indices = #map1}, {transform_indices = #map}]} {
    %mul3A = arith.constant 2 : i32
    %mul3A_0 = arith.muli %arg1, %mul3A : i32
    %add3A = arith.addi %mul3A_0, %arg0 : i32
    %mul3A_1 = arith.constant 1024 : i32
    %mul3A_2 = arith.muli %add3A, %mul3A_1 : i32
    "tpu.region"() ({
      %run_scoped3A = tpu.sem_alloc : memref<!tpu.dma_semaphore, #tpu.memory_space<semaphore_mem>>
      %dma_start3A_7 = tpu.memref_slice %arg3[%mul3A_2] : memref<32768xi32, #tpu.memory_space<hbm>> -> memref<1024xi32, #tpu.memory_space<hbm>>
      %dma_start3A_8 = tpu.memref_slice %arg3[%mul3A_2] : memref<32768xi32, #tpu.memory_space<hbm>> -> memref<1024xi32, #tpu.memory_space<hbm>>
      tpu.enqueue_dma source(%dma_start3A_8 : memref<1024xi32, #tpu.memory_space<hbm>>) target(%arg5 : memref<1024xi32, #tpu.memory_space<vmem>>) target_semaphore(%run_scoped3A : memref<!tpu.dma_semaphore, #tpu.memory_space<semaphore_mem>>)
      %dma_wait3A_9 = tpu.memref_slice %arg3[%mul3A_2] : memref<32768xi32, #tpu.memory_space<hbm>> -> memref<1024xi32, #tpu.memory_space<hbm>>
      %dma_wait3A_10 = tpu.memref_slice %arg3[%mul3A_2] : memref<32768xi32, #tpu.memory_space<hbm>> -> memref<1024xi32, #tpu.memory_space<hbm>>
      tpu.wait_dma2 semaphore(%run_scoped3A : memref<!tpu.dma_semaphore, #tpu.memory_space<semaphore_mem>>) src(%dma_wait3A_10 : memref<1024xi32, #tpu.memory_space<hbm>>) dst(%arg5 : memref<1024xi32, #tpu.memory_space<vmem>>)
      tpu.yield
    }) : () -> ()
    %dma_start3A = arith.constant 0 : i32
    %dma_start3A_3 = arith.constant 0 : i32
    %dma_start3A_4 = tpu.memref_slice %arg2[%dma_start3A, %dma_start3A_3] : memref<100000x48xf32, #tpu.memory_space<hbm>> -> memref<100000x48xf32, #tpu.memory_space<hbm>>
    tpu.enqueue_indirect_dma source(%dma_start3A_4 : memref<100000x48xf32, #tpu.memory_space<hbm>>) target(%arg6 : memref<1024x48xf32, #tpu.memory_space<vmem>>) offsets(%arg5 : memref<1024xi32, #tpu.memory_space<vmem>>) semaphore(%arg7 : memref<!tpu.dma_semaphore, #tpu.memory_space<semaphore_mem>>)
    %dma_wait3A = arith.constant 0 : i32
    %dma_wait3A_5 = arith.constant 0 : i32
    %dma_wait3A_6 = tpu.memref_slice %arg2[%dma_wait3A, %dma_wait3A_5] : memref<100000x48xf32, #tpu.memory_space<hbm>> -> memref<100000x48xf32, #tpu.memory_space<hbm>>
    tpu.wait_indirect_dma semaphore(%arg7 : memref<!tpu.dma_semaphore, #tpu.memory_space<semaphore_mem>>) src(%dma_wait3A_6 : memref<100000x48xf32, #tpu.memory_space<hbm>>) dst(%arg6 : memref<1024x48xf32, #tpu.memory_space<vmem>>)
    "tpu.region"() ({
      %run_scoped3A = tpu.sem_alloc : memref<!tpu.dma_semaphore, #tpu.memory_space<semaphore_mem>>
      %dma_start3A_7 = arith.constant 0 : i32
      %dma_start3A_8 = tpu.memref_slice %arg4[%mul3A_2, %dma_start3A_7] : memref<32768x48xf32, #tpu.memory_space<hbm>> -> memref<1024x48xf32, #tpu.memory_space<hbm>>
      %dma_start3A_9 = arith.constant 0 : i32
      %dma_start3A_10 = tpu.memref_slice %arg4[%mul3A_2, %dma_start3A_9] : memref<32768x48xf32, #tpu.memory_space<hbm>> -> memref<1024x48xf32, #tpu.memory_space<hbm>>
      tpu.enqueue_dma source(%arg6 : memref<1024x48xf32, #tpu.memory_space<vmem>>) target(%dma_start3A_10 : memref<1024x48xf32, #tpu.memory_space<hbm>>) target_semaphore(%run_scoped3A : memref<!tpu.dma_semaphore, #tpu.memory_space<semaphore_mem>>)
      %dma_wait3A_11 = arith.constant 0 : i32
      %dma_wait3A_12 = tpu.memref_slice %arg4[%mul3A_2, %dma_wait3A_11] : memref<32768x48xf32, #tpu.memory_space<hbm>> -> memref<1024x48xf32, #tpu.memory_space<hbm>>
      %dma_wait3A_13 = arith.constant 0 : i32
      %dma_wait3A_14 = tpu.memref_slice %arg4[%mul3A_2, %dma_wait3A_13] : memref<32768x48xf32, #tpu.memory_space<hbm>> -> memref<1024x48xf32, #tpu.memory_space<hbm>>
      tpu.wait_dma2 semaphore(%run_scoped3A : memref<!tpu.dma_semaphore, #tpu.memory_space<semaphore_mem>>) src(%arg6 : memref<1024x48xf32, #tpu.memory_space<vmem>>) dst(%dma_wait3A_14 : memref<1024x48xf32, #tpu.memory_space<hbm>>)
      tpu.yield
    }) : () -> ()
    return
  }
}

module attributes {stable_mosaic.version = 14 : i64} {
  func.func @_topk_body(%arg0: i32, %arg1: i32, %arg2: memref<256x3xf32, #tpu.memory_space<vmem>>, %arg3: memref<3x2048xf32, #tpu.memory_space<vmem>>, %arg4: memref<256x8xi32, #tpu.memory_space<vmem>>, %arg5: memref<256x8xf32, #tpu.memory_space<vmem>>, %arg6: memref<256x8xi32, #tpu.memory_space<vmem>>, %arg7: memref<256x8xi32, #tpu.memory_space<vmem>>) attributes {dimension_semantics = [#tpu.dimension_semantics<arbitrary>, #tpu.dimension_semantics<arbitrary>], iteration_bounds = array<i64: 16, 49>, scalar_prefetch = 0 : i64, scratch_operands = 2 : i64, tpu.core_type = #tpu.core_type<tc>, window_params = [{transform_indices = @transform_0, window_bounds = array<i64: 256, 3>}, {transform_indices = @transform_1, window_bounds = array<i64: 3, 2048>}, {transform_indices = @transform_2, window_bounds = array<i64: 256, 8>}, {transform_indices = @transform_3, window_bounds = array<i64: 256, 8>}]} {
    %eq3A = arith.constant 0 : i32
    %eq3A_0 = arith.cmpi eq, %arg1, %eq3A : i32
    %convert_element_type3A = arith.extui %eq3A_0 : i1 to i32
    %cond3A = arith.constant 0 : i32
    %cond3A_1 = arith.cmpi ne, %convert_element_type3A, %cond3A : i32
    scf.if %cond3A_1 {
      %broadcast_in_dim3A_390 = arith.constant 2147483647 : i32
      %broadcast_in_dim3A_391 = vector.broadcast %broadcast_in_dim3A_390 : i32 to vector<256x8xi32>
      %swap3A_392 = arith.constant 0 : index
      %swap3A_393 = arith.constant 0 : index
      %swap3A_394 = vector.load %arg6[%swap3A_392, %swap3A_393] : memref<256x8xi32, #tpu.memory_space<vmem>>, vector<256x8xi32>
      tpu.vector_store %arg6[%swap3A_392, %swap3A_393], %broadcast_in_dim3A_391 {strides = array<i32>} : memref<256x8xi32, #tpu.memory_space<vmem>>, vector<256x8xi32>,
      %broadcast_in_dim3A_395 = arith.constant 0 : i32
      %broadcast_in_dim3A_396 = vector.broadcast %broadcast_in_dim3A_395 : i32 to vector<256x8xi32>
      %swap3A_397 = arith.constant 0 : index
      %swap3A_398 = arith.constant 0 : index
      %swap3A_399 = vector.load %arg7[%swap3A_397, %swap3A_398] : memref<256x8xi32, #tpu.memory_space<vmem>>, vector<256x8xi32>
      tpu.vector_store %arg7[%swap3A_397, %swap3A_398], %broadcast_in_dim3A_396 {strides = array<i32>} : memref<256x8xi32, #tpu.memory_space<vmem>>, vector<256x8xi32>,
    } else {
    }
    %get3A = arith.constant 0 : index
    %get3A_2 = arith.constant 0 : index
    %get3A_3 = vector.load %arg2[%get3A, %get3A_2] : memref<256x3xf32, #tpu.memory_space<vmem>>, vector<256x3xf32>
    %get3A_4 = arith.constant 0 : index
    %get3A_5 = arith.constant 0 : index
    %get3A_6 = vector.load %arg3[%get3A_4, %get3A_5] : memref<3x2048xf32, #tpu.memory_space<vmem>>, vector<3x2048xf32>
    %mul3A = arith.mulf %get3A_3, %get3A_3 : vector<256x3xf32>
    %reduce_sum3A = arith.constant dense<0.000000e+00> : vector<256xf32>
    %reduce_sum3A_7 = vector.multi_reduction <add>, %mul3A, %reduce_sum3A [1] : vector<256x3xf32> to vector<256xf32>
    %broadcast_in_dim3A = vector.shape_cast %reduce_sum3A_7 : vector<256xf32> to vector<256x1xf32>
    %mul3A_8 = arith.mulf %get3A_6, %get3A_6 : vector<3x2048xf32>
    %reduce_sum3A_9 = arith.constant dense<0.000000e+00> : vector<2048xf32>
    %reduce_sum3A_10 = vector.multi_reduction <add>, %mul3A_8, %reduce_sum3A_9 [0] : vector<3x2048xf32> to vector<2048xf32>
    %broadcast_in_dim3A_11 = vector.shape_cast %reduce_sum3A_10 : vector<2048xf32> to vector<1x2048xf32>
    %convert_element_type3A_12 = arith.truncf %get3A_3 : vector<256x3xf32> to vector<256x3xbf16>
    %convert_element_type3A_13 = arith.truncf %get3A_6 : vector<3x2048xf32> to vector<3x2048xbf16>
    %dot_general3A = arith.constant dense<0.000000e+00> : vector<256x2048xf32>
    %dot_general3A_14 = tpu.matmul %convert_element_type3A_12, %convert_element_type3A_13, %dot_general3A {dimension_numbers = #tpu.dot_dimension_numbers<[1], [0], [0], [1], [0, 0, 1, 1], [], []>, transpose_lhs_hint = false} : vector<256x3xbf16>, vector<3x2048xbf16>, vector<256x2048xf32> -> vector<256x2048xf32>
    %mul3A_15 = arith.constant 2.000000e+00 : f32
    %mul3A_16 = vector.broadcast %mul3A_15 : f32 to vector<256x2048xf32>
    %mul3A_17 = arith.mulf %mul3A_16, %dot_general3A_14 : vector<256x2048xf32>
    %sub3A = vector.broadcast %broadcast_in_dim3A : vector<256x1xf32> to vector<256x2048xf32>
    %sub3A_18 = arith.subf %sub3A, %mul3A_17 : vector<256x2048xf32>
    %add3A = vector.broadcast %broadcast_in_dim3A_11 : vector<1x2048xf32> to vector<256x2048xf32>
    %add3A_19 = arith.addf %sub3A_18, %add3A : vector<256x2048xf32>
    %iota3A = tpu.iota {dimensions = array<i32: 1>} : vector<1x2048xi32>
    %bitcast_convert_type3A = tpu.bitcast %add3A_19 : vector<256x2048xf32> -> vector<256x2048xi32>
    %shift_right_arithmetic3A = arith.constant 31 : i32
    %shift_right_arithmetic3A_20 = vector.broadcast %shift_right_arithmetic3A : i32 to vector<256x2048xi32>
    %shift_right_arithmetic3A_21 = arith.shrsi %bitcast_convert_type3A, %shift_right_arithmetic3A_20 : vector<256x2048xi32>
    %and3A = arith.constant 2147483647 : i32
    %and3A_22 = vector.broadcast %and3A : i32 to vector<256x2048xi32>
    %and3A_23 = arith.andi %shift_right_arithmetic3A_21, %and3A_22 : vector<256x2048xi32>
    %xor3A = arith.xori %bitcast_convert_type3A, %and3A_23 : vector<256x2048xi32>
    %reduce_min3A = arith.constant dense<2147483647> : vector<256xi32>
    %reduce_min3A_24 = vector.multi_reduction <minsi>, %xor3A, %reduce_min3A [1] : vector<256x2048xi32> to vector<256xi32>
    %broadcast_in_dim3A_25 = vector.shape_cast %reduce_min3A_24 : vector<256xi32> to vector<256x1xi32>
    %eq3A_26 = vector.broadcast %broadcast_in_dim3A_25 : vector<256x1xi32> to vector<256x2048xi32>
    %eq3A_27 = arith.cmpi eq, %xor3A, %eq3A_26 : vector<256x2048xi32>
    %jit3A = arith.constant 2147483647 : i32
    %broadcast_in_dim3A_28 = vector.shape_cast %iota3A : vector<1x2048xi32> to vector<1x2048xi32>
    %broadcast_in_dim3A_29 = vector.broadcast %broadcast_in_dim3A_28 : vector<1x2048xi32> to vector<256x2048xi32>
    %broadcast_in_dim3A_30 = vector.broadcast %jit3A : i32 to vector<256x2048xi32>
    %select_n3A = arith.select %eq3A_27, %broadcast_in_dim3A_29, %broadcast_in_dim3A_30 : vector<256x2048xi1>, vector<256x2048xi32>
    %reduce_min3A_31 = arith.constant dense<2147483647> : vector<256xi32>
    %reduce_min3A_32 = vector.multi_reduction <minsi>, %select_n3A, %reduce_min3A_31 [1] : vector<256x2048xi32> to vector<256xi32>
    %broadcast_in_dim3A_33 = vector.shape_cast %reduce_min3A_32 : vector<256xi32> to vector<256x1xi32>
    %eq3A_34 = vector.broadcast %iota3A : vector<1x2048xi32> to vector<256x2048xi32>
    %eq3A_35 = vector.broadcast %broadcast_in_dim3A_33 : vector<256x1xi32> to vector<256x2048xi32>
    %eq3A_36 = arith.cmpi eq, %eq3A_34, %eq3A_35 : vector<256x2048xi32>
    %jit3A_37 = arith.constant 2147483647 : i32
    %broadcast_in_dim3A_38 = vector.broadcast %jit3A_37 : i32 to vector<256x2048xi32>
    %select_n3A_39 = arith.select %eq3A_36, %broadcast_in_dim3A_38, %xor3A : vector<256x2048xi1>, vector<256x2048xi32>
    %reduce_min3A_40 = arith.constant dense<2147483647> : vector<256xi32>
    %reduce_min3A_41 = vector.multi_reduction <minsi>, %select_n3A_39, %reduce_min3A_40 [1] : vector<256x2048xi32> to vector<256xi32>
    %broadcast_in_dim3A_42 = vector.shape_cast %reduce_min3A_41 : vector<256xi32> to vector<256x1xi32>
    %eq3A_43 = vector.broadcast %broadcast_in_dim3A_42 : vector<256x1xi32> to vector<256x2048xi32>
    %eq3A_44 = arith.cmpi eq, %select_n3A_39, %eq3A_43 : vector<256x2048xi32>
    %jit3A_45 = arith.constant 2147483647 : i32
    %broadcast_in_dim3A_46 = vector.shape_cast %iota3A : vector<1x2048xi32> to vector<1x2048xi32>
    %broadcast_in_dim3A_47 = vector.broadcast %broadcast_in_dim3A_46 : vector<1x2048xi32> to vector<256x2048xi32>
    %broadcast_in_dim3A_48 = vector.broadcast %jit3A_45 : i32 to vector<256x2048xi32>
    %select_n3A_49 = arith.select %eq3A_44, %broadcast_in_dim3A_47, %broadcast_in_dim3A_48 : vector<256x2048xi1>, vector<256x2048xi32>
    %reduce_min3A_50 = arith.constant dense<2147483647> : vector<256xi32>
    %reduce_min3A_51 = vector.multi_reduction <minsi>, %select_n3A_49, %reduce_min3A_50 [1] : vector<256x2048xi32> to vector<256xi32>
    %broadcast_in_dim3A_52 = vector.shape_cast %reduce_min3A_51 : vector<256xi32> to vector<256x1xi32>
    %eq3A_53 = vector.broadcast %iota3A : vector<1x2048xi32> to vector<256x2048xi32>
    %eq3A_54 = vector.broadcast %broadcast_in_dim3A_52 : vector<256x1xi32> to vector<256x2048xi32>
    %eq3A_55 = arith.cmpi eq, %eq3A_53, %eq3A_54 : vector<256x2048xi32>
    %jit3A_56 = arith.constant 2147483647 : i32
    %broadcast_in_dim3A_57 = vector.broadcast %jit3A_56 : i32 to vector<256x2048xi32>
    %select_n3A_58 = arith.select %eq3A_55, %broadcast_in_dim3A_57, %select_n3A_39 : vector<256x2048xi1>, vector<256x2048xi32>
    %reduce_min3A_59 = arith.constant dense<2147483647> : vector<256xi32>
    %reduce_min3A_60 = vector.multi_reduction <minsi>, %select_n3A_58, %reduce_min3A_59 [1] : vector<256x2048xi32> to vector<256xi32>
    %broadcast_in_dim3A_61 = vector.shape_cast %reduce_min3A_60 : vector<256xi32> to vector<256x1xi32>
    %eq3A_62 = vector.broadcast %broadcast_in_dim3A_61 : vector<256x1xi32> to vector<256x2048xi32>
    %eq3A_63 = arith.cmpi eq, %select_n3A_58, %eq3A_62 : vector<256x2048xi32>
    %jit3A_64 = arith.constant 2147483647 : i32
    %broadcast_in_dim3A_65 = vector.shape_cast %iota3A : vector<1x2048xi32> to vector<1x2048xi32>
    %broadcast_in_dim3A_66 = vector.broadcast %broadcast_in_dim3A_65 : vector<1x2048xi32> to vector<256x2048xi32>
    %broadcast_in_dim3A_67 = vector.broadcast %jit3A_64 : i32 to vector<256x2048xi32>
    %select_n3A_68 = arith.select %eq3A_63, %broadcast_in_dim3A_66, %broadcast_in_dim3A_67 : vector<256x2048xi1>, vector<256x2048xi32>
    %reduce_min3A_69 = arith.constant dense<2147483647> : vector<256xi32>
    %reduce_min3A_70 = vector.multi_reduction <minsi>, %select_n3A_68, %reduce_min3A_69 [1] : vector<256x2048xi32> to vector<256xi32>
    %broadcast_in_dim3A_71 = vector.shape_cast %reduce_min3A_70 : vector<256xi32> to vector<256x1xi32>
    %eq3A_72 = vector.broadcast %iota3A : vector<1x2048xi32> to vector<256x2048xi32>
    %eq3A_73 = vector.broadcast %broadcast_in_dim3A_71 : vector<256x1xi32> to vector<256x2048xi32>
    %eq3A_74 = arith.cmpi eq, %eq3A_72, %eq3A_73 : vector<256x2048xi32>
    %jit3A_75 = arith.constant 2147483647 : i32
    %broadcast_in_dim3A_76 = vector.broadcast %jit3A_75 : i32 to vector<256x2048xi32>
    %select_n3A_77 = arith.select %eq3A_74, %broadcast_in_dim3A_76, %select_n3A_58 : vector<256x2048xi1>, vector<256x2048xi32>
    %reduce_min3A_78 = arith.constant dense<2147483647> : vector<256xi32>
    %reduce_min3A_79 = vector.multi_reduction <minsi>, %select_n3A_77, %reduce_min3A_78 [1] : vector<256x2048xi32> to vector<256xi32>
    %broadcast_in_dim3A_80 = vector.shape_cast %reduce_min3A_79 : vector<256xi32> to vector<256x1xi32>
    %eq3A_81 = vector.broadcast %broadcast_in_dim3A_80 : vector<256x1xi32> to vector<256x2048xi32>
    %eq3A_82 = arith.cmpi eq, %select_n3A_77, %eq3A_81 : vector<256x2048xi32>
    %jit3A_83 = arith.constant 2147483647 : i32
    %broadcast_in_dim3A_84 = vector.shape_cast %iota3A : vector<1x2048xi32> to vector<1x2048xi32>
    %broadcast_in_dim3A_85 = vector.broadcast %broadcast_in_dim3A_84 : vector<1x2048xi32> to vector<256x2048xi32>
    %broadcast_in_dim3A_86 = vector.broadcast %jit3A_83 : i32 to vector<256x2048xi32>
    %select_n3A_87 = arith.select %eq3A_82, %broadcast_in_dim3A_85, %broadcast_in_dim3A_86 : vector<256x2048xi1>, vector<256x2048xi32>
    %reduce_min3A_88 = arith.constant dense<2147483647> : vector<256xi32>
    %reduce_min3A_89 = vector.multi_reduction <minsi>, %select_n3A_87, %reduce_min3A_88 [1] : vector<256x2048xi32> to vector<256xi32>
    %broadcast_in_dim3A_90 = vector.shape_cast %reduce_min3A_89 : vector<256xi32> to vector<256x1xi32>
    %eq3A_91 = vector.broadcast %iota3A : vector<1x2048xi32> to vector<256x2048xi32>
    %eq3A_92 = vector.broadcast %broadcast_in_dim3A_90 : vector<256x1xi32> to vector<256x2048xi32>
    %eq3A_93 = arith.cmpi eq, %eq3A_91, %eq3A_92 : vector<256x2048xi32>
    %jit3A_94 = arith.constant 2147483647 : i32
    %broadcast_in_dim3A_95 = vector.broadcast %jit3A_94 : i32 to vector<256x2048xi32>
    %select_n3A_96 = arith.select %eq3A_93, %broadcast_in_dim3A_95, %select_n3A_77 : vector<256x2048xi1>, vector<256x2048xi32>
    %reduce_min3A_97 = arith.constant dense<2147483647> : vector<256xi32>
    %reduce_min3A_98 = vector.multi_reduction <minsi>, %select_n3A_96, %reduce_min3A_97 [1] : vector<256x2048xi32> to vector<256xi32>
    %broadcast_in_dim3A_99 = vector.shape_cast %reduce_min3A_98 : vector<256xi32> to vector<256x1xi32>
    %eq3A_100 = vector.broadcast %broadcast_in_dim3A_99 : vector<256x1xi32> to vector<256x2048xi32>
    %eq3A_101 = arith.cmpi eq, %select_n3A_96, %eq3A_100 : vector<256x2048xi32>
    %jit3A_102 = arith.constant 2147483647 : i32
    %broadcast_in_dim3A_103 = vector.shape_cast %iota3A : vector<1x2048xi32> to vector<1x2048xi32>
    %broadcast_in_dim3A_104 = vector.broadcast %broadcast_in_dim3A_103 : vector<1x2048xi32> to vector<256x2048xi32>
    %broadcast_in_dim3A_105 = vector.broadcast %jit3A_102 : i32 to vector<256x2048xi32>
    %select_n3A_106 = arith.select %eq3A_101, %broadcast_in_dim3A_104, %broadcast_in_dim3A_105 : vector<256x2048xi1>, vector<256x2048xi32>
    %reduce_min3A_107 = arith.constant dense<2147483647> : vector<256xi32>
    %reduce_min3A_108 = vector.multi_reduction <minsi>, %select_n3A_106, %reduce_min3A_107 [1] : vector<256x2048xi32> to vector<256xi32>
    %broadcast_in_dim3A_109 = vector.shape_cast %reduce_min3A_108 : vector<256xi32> to vector<256x1xi32>
    %eq3A_110 = vector.broadcast %iota3A : vector<1x2048xi32> to vector<256x2048xi32>
    %eq3A_111 = vector.broadcast %broadcast_in_dim3A_109 : vector<256x1xi32> to vector<256x2048xi32>
    %eq3A_112 = arith.cmpi eq, %eq3A_110, %eq3A_111 : vector<256x2048xi32>
    %jit3A_113 = arith.constant 2147483647 : i32
    %broadcast_in_dim3A_114 = vector.broadcast %jit3A_113 : i32 to vector<256x2048xi32>
    %select_n3A_115 = arith.select %eq3A_112, %broadcast_in_dim3A_114, %select_n3A_96 : vector<256x2048xi1>, vector<256x2048xi32>
    %reduce_min3A_116 = arith.constant dense<2147483647> : vector<256xi32>
    %reduce_min3A_117 = vector.multi_reduction <minsi>, %select_n3A_115, %reduce_min3A_116 [1] : vector<256x2048xi32> to vector<256xi32>
    %broadcast_in_dim3A_118 = vector.shape_cast %reduce_min3A_117 : vector<256xi32> to vector<256x1xi32>
    %eq3A_119 = vector.broadcast %broadcast_in_dim3A_118 : vector<256x1xi32> to vector<256x2048xi32>
    %eq3A_120 = arith.cmpi eq, %select_n3A_115, %eq3A_119 : vector<256x2048xi32>
    %jit3A_121 = arith.constant 2147483647 : i32
    %broadcast_in_dim3A_122 = vector.shape_cast %iota3A : vector<1x2048xi32> to vector<1x2048xi32>
    %broadcast_in_dim3A_123 = vector.broadcast %broadcast_in_dim3A_122 : vector<1x2048xi32> to vector<256x2048xi32>
    %broadcast_in_dim3A_124 = vector.broadcast %jit3A_121 : i32 to vector<256x2048xi32>
    %select_n3A_125 = arith.select %eq3A_120, %broadcast_in_dim3A_123, %broadcast_in_dim3A_124 : vector<256x2048xi1>, vector<256x2048xi32>
    %reduce_min3A_126 = arith.constant dense<2147483647> : vector<256xi32>
    %reduce_min3A_127 = vector.multi_reduction <minsi>, %select_n3A_125, %reduce_min3A_126 [1] : vector<256x2048xi32> to vector<256xi32>
    %broadcast_in_dim3A_128 = vector.shape_cast %reduce_min3A_127 : vector<256xi32> to vector<256x1xi32>
    %eq3A_129 = vector.broadcast %iota3A : vector<1x2048xi32> to vector<256x2048xi32>
    %eq3A_130 = vector.broadcast %broadcast_in_dim3A_128 : vector<256x1xi32> to vector<256x2048xi32>
    %eq3A_131 = arith.cmpi eq, %eq3A_129, %eq3A_130 : vector<256x2048xi32>
    %jit3A_132 = arith.constant 2147483647 : i32
    %broadcast_in_dim3A_133 = vector.broadcast %jit3A_132 : i32 to vector<256x2048xi32>
    %select_n3A_134 = arith.select %eq3A_131, %broadcast_in_dim3A_133, %select_n3A_115 : vector<256x2048xi1>, vector<256x2048xi32>
    %reduce_min3A_135 = arith.constant dense<2147483647> : vector<256xi32>
    %reduce_min3A_136 = vector.multi_reduction <minsi>, %select_n3A_134, %reduce_min3A_135 [1] : vector<256x2048xi32> to vector<256xi32>
    %broadcast_in_dim3A_137 = vector.shape_cast %reduce_min3A_136 : vector<256xi32> to vector<256x1xi32>
    %eq3A_138 = vector.broadcast %broadcast_in_dim3A_137 : vector<256x1xi32> to vector<256x2048xi32>
    %eq3A_139 = arith.cmpi eq, %select_n3A_134, %eq3A_138 : vector<256x2048xi32>
    %jit3A_140 = arith.constant 2147483647 : i32
    %broadcast_in_dim3A_141 = vector.shape_cast %iota3A : vector<1x2048xi32> to vector<1x2048xi32>
    %broadcast_in_dim3A_142 = vector.broadcast %broadcast_in_dim3A_141 : vector<1x2048xi32> to vector<256x2048xi32>
    %broadcast_in_dim3A_143 = vector.broadcast %jit3A_140 : i32 to vector<256x2048xi32>
    %select_n3A_144 = arith.select %eq3A_139, %broadcast_in_dim3A_142, %broadcast_in_dim3A_143 : vector<256x2048xi1>, vector<256x2048xi32>
    %reduce_min3A_145 = arith.constant dense<2147483647> : vector<256xi32>
    %reduce_min3A_146 = vector.multi_reduction <minsi>, %select_n3A_144, %reduce_min3A_145 [1] : vector<256x2048xi32> to vector<256xi32>
    %broadcast_in_dim3A_147 = vector.shape_cast %reduce_min3A_146 : vector<256xi32> to vector<256x1xi32>
    %eq3A_148 = vector.broadcast %iota3A : vector<1x2048xi32> to vector<256x2048xi32>
    %eq3A_149 = vector.broadcast %broadcast_in_dim3A_147 : vector<256x1xi32> to vector<256x2048xi32>
    %eq3A_150 = arith.cmpi eq, %eq3A_148, %eq3A_149 : vector<256x2048xi32>
    %jit3A_151 = arith.constant 2147483647 : i32
    %broadcast_in_dim3A_152 = vector.broadcast %jit3A_151 : i32 to vector<256x2048xi32>
    %select_n3A_153 = arith.select %eq3A_150, %broadcast_in_dim3A_152, %select_n3A_134 : vector<256x2048xi1>, vector<256x2048xi32>
    %reduce_min3A_154 = arith.constant dense<2147483647> : vector<256xi32>
    %reduce_min3A_155 = vector.multi_reduction <minsi>, %select_n3A_153, %reduce_min3A_154 [1] : vector<256x2048xi32> to vector<256xi32>
    %broadcast_in_dim3A_156 = vector.shape_cast %reduce_min3A_155 : vector<256xi32> to vector<256x1xi32>
    %eq3A_157 = vector.broadcast %broadcast_in_dim3A_156 : vector<256x1xi32> to vector<256x2048xi32>
    %eq3A_158 = arith.cmpi eq, %select_n3A_153, %eq3A_157 : vector<256x2048xi32>
    %jit3A_159 = arith.constant 2147483647 : i32
    %broadcast_in_dim3A_160 = vector.shape_cast %iota3A : vector<1x2048xi32> to vector<1x2048xi32>
    %broadcast_in_dim3A_161 = vector.broadcast %broadcast_in_dim3A_160 : vector<1x2048xi32> to vector<256x2048xi32>
    %broadcast_in_dim3A_162 = vector.broadcast %jit3A_159 : i32 to vector<256x2048xi32>
    %select_n3A_163 = arith.select %eq3A_158, %broadcast_in_dim3A_161, %broadcast_in_dim3A_162 : vector<256x2048xi1>, vector<256x2048xi32>
    %reduce_min3A_164 = arith.constant dense<2147483647> : vector<256xi32>
    %reduce_min3A_165 = vector.multi_reduction <minsi>, %select_n3A_163, %reduce_min3A_164 [1] : vector<256x2048xi32> to vector<256xi32>
    %broadcast_in_dim3A_166 = vector.shape_cast %reduce_min3A_165 : vector<256xi32> to vector<256x1xi32>
    %concatenate3A = tpu.concatenate %broadcast_in_dim3A_25, %broadcast_in_dim3A_42, %broadcast_in_dim3A_61, %broadcast_in_dim3A_80, %broadcast_in_dim3A_99, %broadcast_in_dim3A_118, %broadcast_in_dim3A_137, %broadcast_in_dim3A_156 in 1 : vector<256x1xi32>, vector<256x1xi32>, vector<256x1xi32>, vector<256x1xi32>, vector<256x1xi32>, vector<256x1xi32>, vector<256x1xi32>, vector<256x1xi32> -> vector<256x8xi32>
    %concatenate3A_167 = tpu.concatenate %broadcast_in_dim3A_33, %broadcast_in_dim3A_52, %broadcast_in_dim3A_71, %broadcast_in_dim3A_90, %broadcast_in_dim3A_109, %broadcast_in_dim3A_128, %broadcast_in_dim3A_147, %broadcast_in_dim3A_166 in 1 : vector<256x1xi32>, vector<256x1xi32>, vector<256x1xi32>, vector<256x1xi32>, vector<256x1xi32>, vector<256x1xi32>, vector<256x1xi32>, vector<256x1xi32> -> vector<256x8xi32>
    %mul3A_168 = arith.constant 2048 : i32
    %mul3A_169 = arith.muli %arg1, %mul3A_168 : i32
    %add3A_170 = vector.broadcast %mul3A_169 : i32 to vector<256x8xi32>
    %add3A_171 = arith.addi %concatenate3A_167, %add3A_170 : vector<256x8xi32>
    %get3A_172 = arith.constant 0 : index
    %get3A_173 = arith.constant 0 : index
    %get3A_174 = vector.load %arg6[%get3A_172, %get3A_173] : memref<256x8xi32, #tpu.memory_space<vmem>>, vector<256x8xi32>
    %concatenate3A_175 = tpu.concatenate %get3A_174, %concatenate3A in 1 : vector<256x8xi32>, vector<256x8xi32> -> vector<256x16xi32>
    %get3A_176 = arith.constant 0 : index
    %get3A_177 = arith.constant 0 : index
    %get3A_178 = vector.load %arg7[%get3A_176, %get3A_177] : memref<256x8xi32, #tpu.memory_space<vmem>>, vector<256x8xi32>
    %concatenate3A_179 = tpu.concatenate %get3A_178, %add3A_171 in 1 : vector<256x8xi32>, vector<256x8xi32> -> vector<256x16xi32>
    %iota3A_180 = tpu.iota {dimensions = array<i32: 1>} : vector<1x16xi32>
    %reduce_min3A_181 = arith.constant dense<2147483647> : vector<256xi32>
    %reduce_min3A_182 = vector.multi_reduction <minsi>, %concatenate3A_175, %reduce_min3A_181 [1] : vector<256x16xi32> to vector<256xi32>
    %broadcast_in_dim3A_183 = vector.shape_cast %reduce_min3A_182 : vector<256xi32> to vector<256x1xi32>
    %eq3A_184 = vector.broadcast %broadcast_in_dim3A_183 : vector<256x1xi32> to vector<256x16xi32>
    %eq3A_185 = arith.cmpi eq, %concatenate3A_175, %eq3A_184 : vector<256x16xi32>
    %jit3A_186 = arith.constant 99 : i32
    %broadcast_in_dim3A_187 = vector.shape_cast %iota3A_180 : vector<1x16xi32> to vector<1x16xi32>
    %broadcast_in_dim3A_188 = vector.broadcast %broadcast_in_dim3A_187 : vector<1x16xi32> to vector<256x16xi32>
    %broadcast_in_dim3A_189 = vector.broadcast %jit3A_186 : i32 to vector<256x16xi32>
    %select_n3A_190 = arith.select %eq3A_185, %broadcast_in_dim3A_188, %broadcast_in_dim3A_189 : vector<256x16xi1>, vector<256x16xi32>
    %reduce_min3A_191 = arith.constant dense<2147483647> : vector<256xi32>
    %reduce_min3A_192 = vector.multi_reduction <minsi>, %select_n3A_190, %reduce_min3A_191 [1] : vector<256x16xi32> to vector<256xi32>
    %broadcast_in_dim3A_193 = vector.shape_cast %reduce_min3A_192 : vector<256xi32> to vector<256x1xi32>
    %eq3A_194 = vector.broadcast %iota3A_180 : vector<1x16xi32> to vector<256x16xi32>
    %eq3A_195 = vector.broadcast %broadcast_in_dim3A_193 : vector<256x1xi32> to vector<256x16xi32>
    %eq3A_196 = arith.cmpi eq, %eq3A_194, %eq3A_195 : vector<256x16xi32>
    %jit3A_197 = arith.constant 2147483647 : i32
    %broadcast_in_dim3A_198 = vector.broadcast %jit3A_197 : i32 to vector<256x16xi32>
    %select_n3A_199 = arith.select %eq3A_196, %concatenate3A_179, %broadcast_in_dim3A_198 : vector<256x16xi1>, vector<256x16xi32>
    %reduce_min3A_200 = arith.constant dense<2147483647> : vector<256xi32>
    %reduce_min3A_201 = vector.multi_reduction <minsi>, %select_n3A_199, %reduce_min3A_200 [1] : vector<256x16xi32> to vector<256xi32>
    %broadcast_in_dim3A_202 = vector.shape_cast %reduce_min3A_201 : vector<256xi32> to vector<256x1xi32>
    %jit3A_203 = arith.constant 2147483647 : i32
    %broadcast_in_dim3A_204 = vector.broadcast %jit3A_203 : i32 to vector<256x16xi32>
    %select_n3A_205 = arith.select %eq3A_196, %broadcast_in_dim3A_204, %concatenate3A_175 : vector<256x16xi1>, vector<256x16xi32>
    %reduce_min3A_206 = arith.constant dense<2147483647> : vector<256xi32>
    %reduce_min3A_207 = vector.multi_reduction <minsi>, %select_n3A_205, %reduce_min3A_206 [1] : vector<256x16xi32> to vector<256xi32>
    %broadcast_in_dim3A_208 = vector.shape_cast %reduce_min3A_207 : vector<256xi32> to vector<256x1xi32>
    %eq3A_209 = vector.broadcast %broadcast_in_dim3A_208 : vector<256x1xi32> to vector<256x16xi32>
    %eq3A_210 = arith.cmpi eq, %select_n3A_205, %eq3A_209 : vector<256x16xi32>
    %jit3A_211 = arith.constant 99 : i32
    %broadcast_in_dim3A_212 = vector.shape_cast %iota3A_180 : vector<1x16xi32> to vector<1x16xi32>
    %broadcast_in_dim3A_213 = vector.broadcast %broadcast_in_dim3A_212 : vector<1x16xi32> to vector<256x16xi32>
    %broadcast_in_dim3A_214 = vector.broadcast %jit3A_211 : i32 to vector<256x16xi32>
    %select_n3A_215 = arith.select %eq3A_210, %broadcast_in_dim3A_213, %broadcast_in_dim3A_214 : vector<256x16xi1>, vector<256x16xi32>
    %reduce_min3A_216 = arith.constant dense<2147483647> : vector<256xi32>
    %reduce_min3A_217 = vector.multi_reduction <minsi>, %select_n3A_215, %reduce_min3A_216 [1] : vector<256x16xi32> to vector<256xi32>
    %broadcast_in_dim3A_218 = vector.shape_cast %reduce_min3A_217 : vector<256xi32> to vector<256x1xi32>
    %eq3A_219 = vector.broadcast %iota3A_180 : vector<1x16xi32> to vector<256x16xi32>
    %eq3A_220 = vector.broadcast %broadcast_in_dim3A_218 : vector<256x1xi32> to vector<256x16xi32>
    %eq3A_221 = arith.cmpi eq, %eq3A_219, %eq3A_220 : vector<256x16xi32>
    %jit3A_222 = arith.constant 2147483647 : i32
    %broadcast_in_dim3A_223 = vector.broadcast %jit3A_222 : i32 to vector<256x16xi32>
    %select_n3A_224 = arith.select %eq3A_221, %concatenate3A_179, %broadcast_in_dim3A_223 : vector<256x16xi1>, vector<256x16xi32>
    %reduce_min3A_225 = arith.constant dense<2147483647> : vector<256xi32>
    %reduce_min3A_226 = vector.multi_reduction <minsi>, %select_n3A_224, %reduce_min3A_225 [1] : vector<256x16xi32> to vector<256xi32>
    %broadcast_in_dim3A_227 = vector.shape_cast %reduce_min3A_226 : vector<256xi32> to vector<256x1xi32>
    %jit3A_228 = arith.constant 2147483647 : i32
    %broadcast_in_dim3A_229 = vector.broadcast %jit3A_228 : i32 to vector<256x16xi32>
    %select_n3A_230 = arith.select %eq3A_221, %broadcast_in_dim3A_229, %select_n3A_205 : vector<256x16xi1>, vector<256x16xi32>
    %reduce_min3A_231 = arith.constant dense<2147483647> : vector<256xi32>
    %reduce_min3A_232 = vector.multi_reduction <minsi>, %select_n3A_230, %reduce_min3A_231 [1] : vector<256x16xi32> to vector<256xi32>
    %broadcast_in_dim3A_233 = vector.shape_cast %reduce_min3A_232 : vector<256xi32> to vector<256x1xi32>
    %eq3A_234 = vector.broadcast %broadcast_in_dim3A_233 : vector<256x1xi32> to vector<256x16xi32>
    %eq3A_235 = arith.cmpi eq, %select_n3A_230, %eq3A_234 : vector<256x16xi32>
    %jit3A_236 = arith.constant 99 : i32
    %broadcast_in_dim3A_237 = vector.shape_cast %iota3A_180 : vector<1x16xi32> to vector<1x16xi32>
    %broadcast_in_dim3A_238 = vector.broadcast %broadcast_in_dim3A_237 : vector<1x16xi32> to vector<256x16xi32>
    %broadcast_in_dim3A_239 = vector.broadcast %jit3A_236 : i32 to vector<256x16xi32>
    %select_n3A_240 = arith.select %eq3A_235, %broadcast_in_dim3A_238, %broadcast_in_dim3A_239 : vector<256x16xi1>, vector<256x16xi32>
    %reduce_min3A_241 = arith.constant dense<2147483647> : vector<256xi32>
    %reduce_min3A_242 = vector.multi_reduction <minsi>, %select_n3A_240, %reduce_min3A_241 [1] : vector<256x16xi32> to vector<256xi32>
    %broadcast_in_dim3A_243 = vector.shape_cast %reduce_min3A_242 : vector<256xi32> to vector<256x1xi32>
    %eq3A_244 = vector.broadcast %iota3A_180 : vector<1x16xi32> to vector<256x16xi32>
    %eq3A_245 = vector.broadcast %broadcast_in_dim3A_243 : vector<256x1xi32> to vector<256x16xi32>
    %eq3A_246 = arith.cmpi eq, %eq3A_244, %eq3A_245 : vector<256x16xi32>
    %jit3A_247 = arith.constant 2147483647 : i32
    %broadcast_in_dim3A_248 = vector.broadcast %jit3A_247 : i32 to vector<256x16xi32>
    %select_n3A_249 = arith.select %eq3A_246, %concatenate3A_179, %broadcast_in_dim3A_248 : vector<256x16xi1>, vector<256x16xi32>
    %reduce_min3A_250 = arith.constant dense<2147483647> : vector<256xi32>
    %reduce_min3A_251 = vector.multi_reduction <minsi>, %select_n3A_249, %reduce_min3A_250 [1] : vector<256x16xi32> to vector<256xi32>
    %broadcast_in_dim3A_252 = vector.shape_cast %reduce_min3A_251 : vector<256xi32> to vector<256x1xi32>
    %jit3A_253 = arith.constant 2147483647 : i32
    %broadcast_in_dim3A_254 = vector.broadcast %jit3A_253 : i32 to vector<256x16xi32>
    %select_n3A_255 = arith.select %eq3A_246, %broadcast_in_dim3A_254, %select_n3A_230 : vector<256x16xi1>, vector<256x16xi32>
    %reduce_min3A_256 = arith.constant dense<2147483647> : vector<256xi32>
    %reduce_min3A_257 = vector.multi_reduction <minsi>, %select_n3A_255, %reduce_min3A_256 [1] : vector<256x16xi32> to vector<256xi32>
    %broadcast_in_dim3A_258 = vector.shape_cast %reduce_min3A_257 : vector<256xi32> to vector<256x1xi32>
    %eq3A_259 = vector.broadcast %broadcast_in_dim3A_258 : vector<256x1xi32> to vector<256x16xi32>
    %eq3A_260 = arith.cmpi eq, %select_n3A_255, %eq3A_259 : vector<256x16xi32>
    %jit3A_261 = arith.constant 99 : i32
    %broadcast_in_dim3A_262 = vector.shape_cast %iota3A_180 : vector<1x16xi32> to vector<1x16xi32>
    %broadcast_in_dim3A_263 = vector.broadcast %broadcast_in_dim3A_262 : vector<1x16xi32> to vector<256x16xi32>
    %broadcast_in_dim3A_264 = vector.broadcast %jit3A_261 : i32 to vector<256x16xi32>
    %select_n3A_265 = arith.select %eq3A_260, %broadcast_in_dim3A_263, %broadcast_in_dim3A_264 : vector<256x16xi1>, vector<256x16xi32>
    %reduce_min3A_266 = arith.constant dense<2147483647> : vector<256xi32>
    %reduce_min3A_267 = vector.multi_reduction <minsi>, %select_n3A_265, %reduce_min3A_266 [1] : vector<256x16xi32> to vector<256xi32>
    %broadcast_in_dim3A_268 = vector.shape_cast %reduce_min3A_267 : vector<256xi32> to vector<256x1xi32>
    %eq3A_269 = vector.broadcast %iota3A_180 : vector<1x16xi32> to vector<256x16xi32>
    %eq3A_270 = vector.broadcast %broadcast_in_dim3A_268 : vector<256x1xi32> to vector<256x16xi32>
    %eq3A_271 = arith.cmpi eq, %eq3A_269, %eq3A_270 : vector<256x16xi32>
    %jit3A_272 = arith.constant 2147483647 : i32
    %broadcast_in_dim3A_273 = vector.broadcast %jit3A_272 : i32 to vector<256x16xi32>
    %select_n3A_274 = arith.select %eq3A_271, %concatenate3A_179, %broadcast_in_dim3A_273 : vector<256x16xi1>, vector<256x16xi32>
    %reduce_min3A_275 = arith.constant dense<2147483647> : vector<256xi32>
    %reduce_min3A_276 = vector.multi_reduction <minsi>, %select_n3A_274, %reduce_min3A_275 [1] : vector<256x16xi32> to vector<256xi32>
    %broadcast_in_dim3A_277 = vector.shape_cast %reduce_min3A_276 : vector<256xi32> to vector<256x1xi32>
    %jit3A_278 = arith.constant 2147483647 : i32
    %broadcast_in_dim3A_279 = vector.broadcast %jit3A_278 : i32 to vector<256x16xi32>
    %select_n3A_280 = arith.select %eq3A_271, %broadcast_in_dim3A_279, %select_n3A_255 : vector<256x16xi1>, vector<256x16xi32>
    %reduce_min3A_281 = arith.constant dense<2147483647> : vector<256xi32>
    %reduce_min3A_282 = vector.multi_reduction <minsi>, %select_n3A_280, %reduce_min3A_281 [1] : vector<256x16xi32> to vector<256xi32>
    %broadcast_in_dim3A_283 = vector.shape_cast %reduce_min3A_282 : vector<256xi32> to vector<256x1xi32>
    %eq3A_284 = vector.broadcast %broadcast_in_dim3A_283 : vector<256x1xi32> to vector<256x16xi32>
    %eq3A_285 = arith.cmpi eq, %select_n3A_280, %eq3A_284 : vector<256x16xi32>
    %jit3A_286 = arith.constant 99 : i32
    %broadcast_in_dim3A_287 = vector.shape_cast %iota3A_180 : vector<1x16xi32> to vector<1x16xi32>
    %broadcast_in_dim3A_288 = vector.broadcast %broadcast_in_dim3A_287 : vector<1x16xi32> to vector<256x16xi32>
    %broadcast_in_dim3A_289 = vector.broadcast %jit3A_286 : i32 to vector<256x16xi32>
    %select_n3A_290 = arith.select %eq3A_285, %broadcast_in_dim3A_288, %broadcast_in_dim3A_289 : vector<256x16xi1>, vector<256x16xi32>
    %reduce_min3A_291 = arith.constant dense<2147483647> : vector<256xi32>
    %reduce_min3A_292 = vector.multi_reduction <minsi>, %select_n3A_290, %reduce_min3A_291 [1] : vector<256x16xi32> to vector<256xi32>
    %broadcast_in_dim3A_293 = vector.shape_cast %reduce_min3A_292 : vector<256xi32> to vector<256x1xi32>
    %eq3A_294 = vector.broadcast %iota3A_180 : vector<1x16xi32> to vector<256x16xi32>
    %eq3A_295 = vector.broadcast %broadcast_in_dim3A_293 : vector<256x1xi32> to vector<256x16xi32>
    %eq3A_296 = arith.cmpi eq, %eq3A_294, %eq3A_295 : vector<256x16xi32>
    %jit3A_297 = arith.constant 2147483647 : i32
    %broadcast_in_dim3A_298 = vector.broadcast %jit3A_297 : i32 to vector<256x16xi32>
    %select_n3A_299 = arith.select %eq3A_296, %concatenate3A_179, %broadcast_in_dim3A_298 : vector<256x16xi1>, vector<256x16xi32>
    %reduce_min3A_300 = arith.constant dense<2147483647> : vector<256xi32>
    %reduce_min3A_301 = vector.multi_reduction <minsi>, %select_n3A_299, %reduce_min3A_300 [1] : vector<256x16xi32> to vector<256xi32>
    %broadcast_in_dim3A_302 = vector.shape_cast %reduce_min3A_301 : vector<256xi32> to vector<256x1xi32>
    %jit3A_303 = arith.constant 2147483647 : i32
    %broadcast_in_dim3A_304 = vector.broadcast %jit3A_303 : i32 to vector<256x16xi32>
    %select_n3A_305 = arith.select %eq3A_296, %broadcast_in_dim3A_304, %select_n3A_280 : vector<256x16xi1>, vector<256x16xi32>
    %reduce_min3A_306 = arith.constant dense<2147483647> : vector<256xi32>
    %reduce_min3A_307 = vector.multi_reduction <minsi>, %select_n3A_305, %reduce_min3A_306 [1] : vector<256x16xi32> to vector<256xi32>
    %broadcast_in_dim3A_308 = vector.shape_cast %reduce_min3A_307 : vector<256xi32> to vector<256x1xi32>
    %eq3A_309 = vector.broadcast %broadcast_in_dim3A_308 : vector<256x1xi32> to vector<256x16xi32>
    %eq3A_310 = arith.cmpi eq, %select_n3A_305, %eq3A_309 : vector<256x16xi32>
    %jit3A_311 = arith.constant 99 : i32
    %broadcast_in_dim3A_312 = vector.shape_cast %iota3A_180 : vector<1x16xi32> to vector<1x16xi32>
    %broadcast_in_dim3A_313 = vector.broadcast %broadcast_in_dim3A_312 : vector<1x16xi32> to vector<256x16xi32>
    %broadcast_in_dim3A_314 = vector.broadcast %jit3A_311 : i32 to vector<256x16xi32>
    %select_n3A_315 = arith.select %eq3A_310, %broadcast_in_dim3A_313, %broadcast_in_dim3A_314 : vector<256x16xi1>, vector<256x16xi32>
    %reduce_min3A_316 = arith.constant dense<2147483647> : vector<256xi32>
    %reduce_min3A_317 = vector.multi_reduction <minsi>, %select_n3A_315, %reduce_min3A_316 [1] : vector<256x16xi32> to vector<256xi32>
    %broadcast_in_dim3A_318 = vector.shape_cast %reduce_min3A_317 : vector<256xi32> to vector<256x1xi32>
    %eq3A_319 = vector.broadcast %iota3A_180 : vector<1x16xi32> to vector<256x16xi32>
    %eq3A_320 = vector.broadcast %broadcast_in_dim3A_318 : vector<256x1xi32> to vector<256x16xi32>
    %eq3A_321 = arith.cmpi eq, %eq3A_319, %eq3A_320 : vector<256x16xi32>
    %jit3A_322 = arith.constant 2147483647 : i32
    %broadcast_in_dim3A_323 = vector.broadcast %jit3A_322 : i32 to vector<256x16xi32>
    %select_n3A_324 = arith.select %eq3A_321, %concatenate3A_179, %broadcast_in_dim3A_323 : vector<256x16xi1>, vector<256x16xi32>
    %reduce_min3A_325 = arith.constant dense<2147483647> : vector<256xi32>
    %reduce_min3A_326 = vector.multi_reduction <minsi>, %select_n3A_324, %reduce_min3A_325 [1] : vector<256x16xi32> to vector<256xi32>
    %broadcast_in_dim3A_327 = vector.shape_cast %reduce_min3A_326 : vector<256xi32> to vector<256x1xi32>
    %jit3A_328 = arith.constant 2147483647 : i32
    %broadcast_in_dim3A_329 = vector.broadcast %jit3A_328 : i32 to vector<256x16xi32>
    %select_n3A_330 = arith.select %eq3A_321, %broadcast_in_dim3A_329, %select_n3A_305 : vector<256x16xi1>, vector<256x16xi32>
    %reduce_min3A_331 = arith.constant dense<2147483647> : vector<256xi32>
    %reduce_min3A_332 = vector.multi_reduction <minsi>, %select_n3A_330, %reduce_min3A_331 [1] : vector<256x16xi32> to vector<256xi32>
    %broadcast_in_dim3A_333 = vector.shape_cast %reduce_min3A_332 : vector<256xi32> to vector<256x1xi32>
    %eq3A_334 = vector.broadcast %broadcast_in_dim3A_333 : vector<256x1xi32> to vector<256x16xi32>
    %eq3A_335 = arith.cmpi eq, %select_n3A_330, %eq3A_334 : vector<256x16xi32>
    %jit3A_336 = arith.constant 99 : i32
    %broadcast_in_dim3A_337 = vector.shape_cast %iota3A_180 : vector<1x16xi32> to vector<1x16xi32>
    %broadcast_in_dim3A_338 = vector.broadcast %broadcast_in_dim3A_337 : vector<1x16xi32> to vector<256x16xi32>
    %broadcast_in_dim3A_339 = vector.broadcast %jit3A_336 : i32 to vector<256x16xi32>
    %select_n3A_340 = arith.select %eq3A_335, %broadcast_in_dim3A_338, %broadcast_in_dim3A_339 : vector<256x16xi1>, vector<256x16xi32>
    %reduce_min3A_341 = arith.constant dense<2147483647> : vector<256xi32>
    %reduce_min3A_342 = vector.multi_reduction <minsi>, %select_n3A_340, %reduce_min3A_341 [1] : vector<256x16xi32> to vector<256xi32>
    %broadcast_in_dim3A_343 = vector.shape_cast %reduce_min3A_342 : vector<256xi32> to vector<256x1xi32>
    %eq3A_344 = vector.broadcast %iota3A_180 : vector<1x16xi32> to vector<256x16xi32>
    %eq3A_345 = vector.broadcast %broadcast_in_dim3A_343 : vector<256x1xi32> to vector<256x16xi32>
    %eq3A_346 = arith.cmpi eq, %eq3A_344, %eq3A_345 : vector<256x16xi32>
    %jit3A_347 = arith.constant 2147483647 : i32
    %broadcast_in_dim3A_348 = vector.broadcast %jit3A_347 : i32 to vector<256x16xi32>
    %select_n3A_349 = arith.select %eq3A_346, %concatenate3A_179, %broadcast_in_dim3A_348 : vector<256x16xi1>, vector<256x16xi32>
    %reduce_min3A_350 = arith.constant dense<2147483647> : vector<256xi32>
    %reduce_min3A_351 = vector.multi_reduction <minsi>, %select_n3A_349, %reduce_min3A_350 [1] : vector<256x16xi32> to vector<256xi32>
    %broadcast_in_dim3A_352 = vector.shape_cast %reduce_min3A_351 : vector<256xi32> to vector<256x1xi32>
    %jit3A_353 = arith.constant 2147483647 : i32
    %broadcast_in_dim3A_354 = vector.broadcast %jit3A_353 : i32 to vector<256x16xi32>
    %select_n3A_355 = arith.select %eq3A_346, %broadcast_in_dim3A_354, %select_n3A_330 : vector<256x16xi1>, vector<256x16xi32>
    %reduce_min3A_356 = arith.constant dense<2147483647> : vector<256xi32>
    %reduce_min3A_357 = vector.multi_reduction <minsi>, %select_n3A_355, %reduce_min3A_356 [1] : vector<256x16xi32> to vector<256xi32>
    %broadcast_in_dim3A_358 = vector.shape_cast %reduce_min3A_357 : vector<256xi32> to vector<256x1xi32>
    %eq3A_359 = vector.broadcast %broadcast_in_dim3A_358 : vector<256x1xi32> to vector<256x16xi32>
    %eq3A_360 = arith.cmpi eq, %select_n3A_355, %eq3A_359 : vector<256x16xi32>
    %jit3A_361 = arith.constant 99 : i32
    %broadcast_in_dim3A_362 = vector.shape_cast %iota3A_180 : vector<1x16xi32> to vector<1x16xi32>
    %broadcast_in_dim3A_363 = vector.broadcast %broadcast_in_dim3A_362 : vector<1x16xi32> to vector<256x16xi32>
    %broadcast_in_dim3A_364 = vector.broadcast %jit3A_361 : i32 to vector<256x16xi32>
    %select_n3A_365 = arith.select %eq3A_360, %broadcast_in_dim3A_363, %broadcast_in_dim3A_364 : vector<256x16xi1>, vector<256x16xi32>
    %reduce_min3A_366 = arith.constant dense<2147483647> : vector<256xi32>
    %reduce_min3A_367 = vector.multi_reduction <minsi>, %select_n3A_365, %reduce_min3A_366 [1] : vector<256x16xi32> to vector<256xi32>
    %broadcast_in_dim3A_368 = vector.shape_cast %reduce_min3A_367 : vector<256xi32> to vector<256x1xi32>
    %eq3A_369 = vector.broadcast %iota3A_180 : vector<1x16xi32> to vector<256x16xi32>
    %eq3A_370 = vector.broadcast %broadcast_in_dim3A_368 : vector<256x1xi32> to vector<256x16xi32>
    %eq3A_371 = arith.cmpi eq, %eq3A_369, %eq3A_370 : vector<256x16xi32>
    %jit3A_372 = arith.constant 2147483647 : i32
    %broadcast_in_dim3A_373 = vector.broadcast %jit3A_372 : i32 to vector<256x16xi32>
    %select_n3A_374 = arith.select %eq3A_371, %concatenate3A_179, %broadcast_in_dim3A_373 : vector<256x16xi1>, vector<256x16xi32>
    %reduce_min3A_375 = arith.constant dense<2147483647> : vector<256xi32>
    %reduce_min3A_376 = vector.multi_reduction <minsi>, %select_n3A_374, %reduce_min3A_375 [1] : vector<256x16xi32> to vector<256xi32>
    %broadcast_in_dim3A_377 = vector.shape_cast %reduce_min3A_376 : vector<256xi32> to vector<256x1xi32>
    %concatenate3A_378 = tpu.concatenate %broadcast_in_dim3A_183, %broadcast_in_dim3A_208, %broadcast_in_dim3A_233, %broadcast_in_dim3A_258, %broadcast_in_dim3A_283, %broadcast_in_dim3A_308, %broadcast_in_dim3A_333, %broadcast_in_dim3A_358 in 1 : vector<256x1xi32>, vector<256x1xi32>, vector<256x1xi32>, vector<256x1xi32>, vector<256x1xi32>, vector<256x1xi32>, vector<256x1xi32>, vector<256x1xi32> -> vector<256x8xi32>
    %swap3A = arith.constant 0 : index
    %swap3A_379 = arith.constant 0 : index
    %swap3A_380 = vector.load %arg6[%swap3A, %swap3A_379] : memref<256x8xi32, #tpu.memory_space<vmem>>, vector<256x8xi32>
    tpu.vector_store %arg6[%swap3A, %swap3A_379], %concatenate3A_378 {strides = array<i32>} : memref<256x8xi32, #tpu.memory_space<vmem>>, vector<256x8xi32>,
    %concatenate3A_381 = tpu.concatenate %broadcast_in_dim3A_202, %broadcast_in_dim3A_227, %broadcast_in_dim3A_252, %broadcast_in_dim3A_277, %broadcast_in_dim3A_302, %broadcast_in_dim3A_327, %broadcast_in_dim3A_352, %broadcast_in_dim3A_377 in 1 : vector<256x1xi32>, vector<256x1xi32>, vector<256x1xi32>, vector<256x1xi32>, vector<256x1xi32>, vector<256x1xi32>, vector<256x1xi32>, vector<256x1xi32> -> vector<256x8xi32>
    %swap3A_382 = arith.constant 0 : index
    %swap3A_383 = arith.constant 0 : index
    %swap3A_384 = vector.load %arg7[%swap3A_382, %swap3A_383] : memref<256x8xi32, #tpu.memory_space<vmem>>, vector<256x8xi32>
    tpu.vector_store %arg7[%swap3A_382, %swap3A_383], %concatenate3A_381 {strides = array<i32>} : memref<256x8xi32, #tpu.memory_space<vmem>>, vector<256x8xi32>,
    %eq3A_385 = arith.constant 48 : i32
    %eq3A_386 = arith.cmpi eq, %arg1, %eq3A_385 : i32
    %convert_element_type3A_387 = arith.extui %eq3A_386 : i1 to i32
    %cond3A_388 = arith.constant 0 : i32
    %cond3A_389 = arith.cmpi ne, %convert_element_type3A_387, %cond3A_388 : i32
    scf.if %cond3A_389 {
      %get3A_390 = arith.constant 0 : index
      %get3A_391 = arith.constant 0 : index
      %get3A_392 = vector.load %arg7[%get3A_390, %get3A_391] : memref<256x8xi32, #tpu.memory_space<vmem>>, vector<256x8xi32>
      %swap3A_393 = arith.constant 0 : index
      %swap3A_394 = arith.constant 0 : index
      %swap3A_395 = vector.load %arg4[%swap3A_393, %swap3A_394] : memref<256x8xi32, #tpu.memory_space<vmem>>, vector<256x8xi32>
      tpu.vector_store %arg4[%swap3A_393, %swap3A_394], %get3A_392 {strides = array<i32>} : memref<256x8xi32, #tpu.memory_space<vmem>>, vector<256x8xi32>,
      %get3A_396 = arith.constant 0 : index
      %get3A_397 = arith.constant 0 : index
      %get3A_398 = vector.load %arg6[%get3A_396, %get3A_397] : memref<256x8xi32, #tpu.memory_space<vmem>>, vector<256x8xi32>
      %shift_right_arithmetic3A_399 = arith.constant 31 : i32
      %shift_right_arithmetic3A_400 = vector.broadcast %shift_right_arithmetic3A_399 : i32 to vector<256x8xi32>
      %shift_right_arithmetic3A_401 = arith.shrsi %get3A_398, %shift_right_arithmetic3A_400 : vector<256x8xi32>
      %and3A_402 = arith.constant 2147483647 : i32
      %and3A_403 = vector.broadcast %and3A_402 : i32 to vector<256x8xi32>
      %and3A_404 = arith.andi %shift_right_arithmetic3A_401, %and3A_403 : vector<256x8xi32>
      %xor3A_405 = arith.xori %get3A_398, %and3A_404 : vector<256x8xi32>
      %bitcast_convert_type3A_406 = tpu.bitcast %xor3A_405 : vector<256x8xi32> -> vector<256x8xf32>
      %swap3A_407 = arith.constant 0 : index
      %swap3A_408 = arith.constant 0 : index
      %swap3A_409 = vector.load %arg5[%swap3A_407, %swap3A_408] : memref<256x8xf32, #tpu.memory_space<vmem>>, vector<256x8xf32>
      tpu.vector_store %arg5[%swap3A_407, %swap3A_408], %bitcast_convert_type3A_406 {strides = array<i32>} : memref<256x8xf32, #tpu.memory_space<vmem>>, vector<256x8xf32>,
    } else {
    }
    return
  }
  func.func @transform_0(%arg0: i32, %arg1: i32) -> (i32, i32) {
    %c0_i32 = arith.constant 0 : i32
    %c0_i32_0 = arith.constant 0 : i32
    return %arg0, %c0_i32 : i32, i32
  }
  func.func @transform_1(%arg0: i32, %arg1: i32) -> (i32, i32) {
    %c0_i32 = arith.constant 0 : i32
    %c0_i32_0 = arith.constant 0 : i32
    return %c0_i32, %arg1 : i32, i32
  }
  func.func @transform_2(%arg0: i32, %arg1: i32) -> (i32, i32) {
    %c0_i32 = arith.constant 0 : i32
    %c0_i32_0 = arith.constant 0 : i32
    return %arg0, %c0_i32 : i32, i32
  }
  func.func @transform_3(%arg0: i32, %arg1: i32) -> (i32, i32) {
    %c0_i32 = arith.constant 0 : i32
    %c0_i32_0 = arith.constant 0 : i32
    return %arg0, %c0_i32 : i32, i32
  }
}

module attributes {stable_mosaic.version = 14 : i64} {
  func.func @_mlp_body(%arg0: i32, %arg1: memref<4096x48xf32, #tpu.memory_space<vmem>>, %arg2: memref<4096x3xf32, #tpu.memory_space<vmem>>, %arg3: memref<4096x1xf32, #tpu.memory_space<vmem>>, %arg4: memref<512x3xf32, #tpu.memory_space<vmem>>, %arg5: memref<38x64xf32, #tpu.memory_space<vmem>>, %arg6: memref<1x64xf32, #tpu.memory_space<vmem>>, %arg7: memref<64x1xf32, #tpu.memory_space<vmem>>, %arg8: memref<1x1xf32, #tpu.memory_space<vmem>>, %arg9: memref<67x3xf32, #tpu.memory_space<vmem>>, %arg10: memref<1x3xf32, #tpu.memory_space<vmem>>, %arg11: memref<512x1xf32, #tpu.memory_space<vmem>>, %arg12: memref<512x3xf32, #tpu.memory_space<vmem>>) attributes {dimension_semantics = [#tpu.dimension_semantics<arbitrary>], iteration_bounds = array<i64: 8>, scalar_prefetch = 0 : i64, scratch_operands = 0 : i64, tpu.core_type = #tpu.core_type<tc>, window_params = [{transform_indices = @transform_0, window_bounds = array<i64: 4096, 48>}, {transform_indices = @transform_1, window_bounds = array<i64: 4096, 3>}, {transform_indices = @transform_2, window_bounds = array<i64: 4096, 1>}, {transform_indices = @transform_3, window_bounds = array<i64: 512, 3>}, {pipeline_mode = #tpu.pipeline_mode<synchronous>, transform_indices = @transform_4, window_bounds = array<i64: 38, 64>}, {pipeline_mode = #tpu.pipeline_mode<synchronous>, transform_indices = @transform_5, window_bounds = array<i64: 1, 64>}, {pipeline_mode = #tpu.pipeline_mode<synchronous>, transform_indices = @transform_6, window_bounds = array<i64: 64, 1>}, {pipeline_mode = #tpu.pipeline_mode<synchronous>, transform_indices = @transform_7, window_bounds = array<i64: 1, 1>}, {pipeline_mode = #tpu.pipeline_mode<synchronous>, transform_indices = @transform_8, window_bounds = array<i64: 67, 3>}, {pipeline_mode = #tpu.pipeline_mode<synchronous>, transform_indices = @transform_9, window_bounds = array<i64: 1, 3>}, {transform_indices = @transform_10, window_bounds = array<i64: 512, 1>}, {transform_indices = @transform_11, window_bounds = array<i64: 512, 3>}]} {
    %get3A = arith.constant 0 : index
    %get3A_0 = arith.constant 0 : index
    %get3A_1 = vector.load %arg1[%get3A, %get3A_0] : memref<4096x48xf32, #tpu.memory_space<vmem>>, vector<4096x48xf32>
    %get3A_2 = arith.constant 0 : index
    %get3A_3 = arith.constant 0 : index
    %get3A_4 = vector.load %arg2[%get3A_2, %get3A_3] : memref<4096x3xf32, #tpu.memory_space<vmem>>, vector<4096x3xf32>
    %slice3A = vector.extract_strided_slice %get3A_1 {offsets = [0, 0], sizes = [4096, 32], strides = [1, 1]} : vector<4096x48xf32> to vector<4096x32xf32>
    %slice3A_5 = vector.extract_strided_slice %get3A_1 {offsets = [0, 32], sizes = [4096, 3], strides = [1, 1]} : vector<4096x48xf32> to vector<4096x3xf32>
    %slice3A_6 = vector.extract_strided_slice %get3A_1 {offsets = [0, 35], sizes = [4096, 3], strides = [1, 1]} : vector<4096x48xf32> to vector<4096x3xf32>
    %sub3A = arith.subf %slice3A_5, %get3A_4 : vector<4096x3xf32>
    %get3A_7 = arith.constant 0 : index
    %get3A_8 = arith.constant 0 : index
    %get3A_9 = vector.load %arg3[%get3A_7, %get3A_8] : memref<4096x1xf32, #tpu.memory_space<vmem>>, vector<4096x1xf32>
    %max3A = arith.constant 9.99999996E-13 : f32
    %max3A_10 = vector.broadcast %max3A : f32 to vector<4096x1xf32>
    %max3A_11 = arith.maximumf %get3A_9, %max3A_10 : vector<4096x1xf32>
    %sqrt3A = math.sqrt %max3A_11 : vector<4096x1xf32>
    %add3A = arith.constant 9.99999993E-9 : f32
    %add3A_12 = vector.broadcast %add3A : f32 to vector<4096x1xf32>
    %add3A_13 = arith.addf %sqrt3A, %add3A_12 : vector<4096x1xf32>
    %div3A = arith.constant 1.000000e+00 : f32
    %div3A_14 = vector.broadcast %div3A : f32 to vector<4096x1xf32>
    %div3A_15 = arith.divf %div3A_14, %add3A_13 : vector<4096x1xf32>
    %concatenate3A = tpu.concatenate %slice3A, %slice3A_6, %sub3A in 1 : vector<4096x32xf32>, vector<4096x3xf32>, vector<4096x3xf32> -> vector<4096x38xf32>
    %convert_element_type3A = arith.truncf %concatenate3A : vector<4096x38xf32> to vector<4096x38xbf16>
    %get3A_16 = arith.constant 0 : index
    %get3A_17 = arith.constant 0 : index
    %get3A_18 = vector.load %arg5[%get3A_16, %get3A_17] : memref<38x64xf32, #tpu.memory_space<vmem>>, vector<38x64xf32>
    %convert_element_type3A_19 = arith.truncf %get3A_18 : vector<38x64xf32> to vector<38x64xbf16>
    %dot_general3A = arith.constant dense<0.000000e+00> : vector<4096x64xf32>
    %dot_general3A_20 = tpu.matmul %convert_element_type3A, %convert_element_type3A_19, %dot_general3A {dimension_numbers = #tpu.dot_dimension_numbers<[1], [0], [0], [1], [0, 0, 1, 1], [], []>, transpose_lhs_hint = false} : vector<4096x38xbf16>, vector<38x64xbf16>, vector<4096x64xf32> -> vector<4096x64xf32>
    %get3A_21 = arith.constant 0 : index
    %get3A_22 = arith.constant 0 : index
    %get3A_23 = vector.load %arg6[%get3A_21, %get3A_22] : memref<1x64xf32, #tpu.memory_space<vmem>>, vector<1x64xf32>
    %add3A_24 = vector.broadcast %get3A_23 : vector<1x64xf32> to vector<4096x64xf32>
    %add3A_25 = arith.addf %dot_general3A_20, %add3A_24 : vector<4096x64xf32>
    %max3A_26 = arith.constant 0.000000e+00 : f32
    %max3A_27 = vector.broadcast %max3A_26 : f32 to vector<4096x64xf32>
    %max3A_28 = arith.maximumf %add3A_25, %max3A_27 : vector<4096x64xf32>
    %mul3A = vector.broadcast %div3A_15 : vector<4096x1xf32> to vector<4096x64xf32>
    %mul3A_29 = arith.mulf %mul3A, %max3A_28 : vector<4096x64xf32>
    %reshape3A = vector.shape_cast %mul3A_29 : vector<4096x64xf32> to vector<512x8x64xf32>
    %reduce_sum3A = arith.constant dense<0.000000e+00> : vector<512x64xf32>
    %reduce_sum3A_30 = vector.multi_reduction <add>, %reshape3A, %reduce_sum3A [1] : vector<512x8x64xf32> to vector<512x64xf32>
    %reshape3A_31 = vector.shape_cast %div3A_15 : vector<4096x1xf32> to vector<512x8x1xf32>
    %reduce_sum3A_32 = arith.constant dense<0.000000e+00> : vector<512x1xf32>
    %reduce_sum3A_33 = vector.multi_reduction <add>, %reshape3A_31, %reduce_sum3A_32 [1] : vector<512x8x1xf32> to vector<512x1xf32>
    %div3A_34 = vector.broadcast %reduce_sum3A_33 : vector<512x1xf32> to vector<512x64xf32>
    %div3A_35 = arith.divf %reduce_sum3A_30, %div3A_34 : vector<512x64xf32>
    %convert_element_type3A_36 = arith.truncf %div3A_35 : vector<512x64xf32> to vector<512x64xbf16>
    %get3A_37 = arith.constant 0 : index
    %get3A_38 = arith.constant 0 : index
    %get3A_39 = vector.load %arg7[%get3A_37, %get3A_38] : memref<64x1xf32, #tpu.memory_space<vmem>>, vector<64x1xf32>
    %convert_element_type3A_40 = arith.truncf %get3A_39 : vector<64x1xf32> to vector<64x1xbf16>
    %dot_general3A_41 = arith.constant dense<0.000000e+00> : vector<512x1xf32>
    %dot_general3A_42 = tpu.matmul %convert_element_type3A_36, %convert_element_type3A_40, %dot_general3A_41 {dimension_numbers = #tpu.dot_dimension_numbers<[1], [0], [0], [1], [0, 0, 1, 1], [], []>, transpose_lhs_hint = false} : vector<512x64xbf16>, vector<64x1xbf16>, vector<512x1xf32> -> vector<512x1xf32>
    %get3A_43 = arith.constant 0 : index
    %get3A_44 = arith.constant 0 : index
    %get3A_45 = vector.load %arg8[%get3A_43, %get3A_44] : memref<1x1xf32, #tpu.memory_space<vmem>>, vector<1x1xf32>
    %add3A_46 = vector.broadcast %get3A_45 : vector<1x1xf32> to vector<512x1xf32>
    %add3A_47 = arith.addf %dot_general3A_42, %add3A_46 : vector<512x1xf32>
    %max3A_48 = arith.constant 0.000000e+00 : f32
    %max3A_49 = vector.broadcast %max3A_48 : f32 to vector<512x1xf32>
    %max3A_50 = arith.maximumf %add3A_47, %max3A_49 : vector<512x1xf32>
    %abs3A = math.absf %add3A_47 : vector<512x1xf32>
    %neg3A = arith.constant 0.000000e+00 : f32
    %neg3A_51 = vector.broadcast %neg3A : f32 to vector<512x1xf32>
    %neg3A_52 = arith.subf %neg3A_51, %abs3A : vector<512x1xf32>
    %exp3A = math.exp %neg3A_52 : vector<512x1xf32>
    %add3A_53 = arith.constant 1.000000e+00 : f32
    %add3A_54 = vector.broadcast %add3A_53 : f32 to vector<512x1xf32>
    %add3A_55 = arith.addf %add3A_54, %exp3A : vector<512x1xf32>
    %log3A = math.log %add3A_55 : vector<512x1xf32>
    %add3A_56 = arith.addf %max3A_50, %log3A : vector<512x1xf32>
    %swap3A = arith.constant 0 : index
    %swap3A_57 = arith.constant 0 : index
    %swap3A_58 = vector.load %arg11[%swap3A, %swap3A_57] : memref<512x1xf32, #tpu.memory_space<vmem>>, vector<512x1xf32>
    tpu.vector_store %arg11[%swap3A, %swap3A_57], %add3A_56 {strides = array<i32>} : memref<512x1xf32, #tpu.memory_space<vmem>>, vector<512x1xf32>,
    %get3A_59 = arith.constant 0 : index
    %get3A_60 = arith.constant 0 : index
    %get3A_61 = vector.load %arg4[%get3A_59, %get3A_60] : memref<512x3xf32, #tpu.memory_space<vmem>>, vector<512x3xf32>
    %mul3A_62 = arith.mulf %get3A_61, %get3A_61 : vector<512x3xf32>
    %reduce_sum3A_63 = arith.constant dense<0.000000e+00> : vector<512xf32>
    %reduce_sum3A_64 = vector.multi_reduction <add>, %mul3A_62, %reduce_sum3A_63 [1] : vector<512x3xf32> to vector<512xf32>
    %broadcast_in_dim3A = vector.shape_cast %reduce_sum3A_64 : vector<512xf32> to vector<512x1xf32>
    %sqrt3A_65 = math.sqrt %broadcast_in_dim3A : vector<512x1xf32>
    %add3A_66 = arith.constant 9.99999993E-9 : f32
    %add3A_67 = vector.broadcast %add3A_66 : f32 to vector<512x1xf32>
    %add3A_68 = arith.addf %sqrt3A_65, %add3A_67 : vector<512x1xf32>
    %div3A_69 = vector.broadcast %add3A_68 : vector<512x1xf32> to vector<512x3xf32>
    %div3A_70 = arith.divf %get3A_61, %div3A_69 : vector<512x3xf32>
    %concatenate3A_71 = tpu.concatenate %div3A_35, %div3A_70 in 1 : vector<512x64xf32>, vector<512x3xf32> -> vector<512x67xf32>
    %convert_element_type3A_72 = arith.truncf %concatenate3A_71 : vector<512x67xf32> to vector<512x67xbf16>
    %get3A_73 = arith.constant 0 : index
    %get3A_74 = arith.constant 0 : index
    %get3A_75 = vector.load %arg9[%get3A_73, %get3A_74] : memref<67x3xf32, #tpu.memory_space<vmem>>, vector<67x3xf32>
    %convert_element_type3A_76 = arith.truncf %get3A_75 : vector<67x3xf32> to vector<67x3xbf16>
    %dot_general3A_77 = arith.constant dense<0.000000e+00> : vector<512x3xf32>
    %dot_general3A_78 = tpu.matmul %convert_element_type3A_72, %convert_element_type3A_76, %dot_general3A_77 {dimension_numbers = #tpu.dot_dimension_numbers<[1], [0], [0], [1], [0, 0, 1, 1], [], []>, transpose_lhs_hint = false} : vector<512x67xbf16>, vector<67x3xbf16>, vector<512x3xf32> -> vector<512x3xf32>
    %get3A_79 = arith.constant 0 : index
    %get3A_80 = arith.constant 0 : index
    %get3A_81 = vector.load %arg10[%get3A_79, %get3A_80] : memref<1x3xf32, #tpu.memory_space<vmem>>, vector<1x3xf32>
    %add3A_82 = vector.broadcast %get3A_81 : vector<1x3xf32> to vector<512x3xf32>
    %add3A_83 = arith.addf %dot_general3A_78, %add3A_82 : vector<512x3xf32>
    %neg3A_84 = arith.constant 0.000000e+00 : f32
    %neg3A_85 = vector.broadcast %neg3A_84 : f32 to vector<512x3xf32>
    %neg3A_86 = arith.subf %neg3A_85, %add3A_83 : vector<512x3xf32>
    %exp3A_87 = math.exp %neg3A_86 : vector<512x3xf32>
    %add3A_88 = arith.constant 1.000000e+00 : f32
    %add3A_89 = vector.broadcast %add3A_88 : f32 to vector<512x3xf32>
    %add3A_90 = arith.addf %add3A_89, %exp3A_87 : vector<512x3xf32>
    %div3A_91 = arith.constant 1.000000e+00 : f32
    %div3A_92 = vector.broadcast %div3A_91 : f32 to vector<512x3xf32>
    %div3A_93 = arith.divf %div3A_92, %add3A_90 : vector<512x3xf32>
    %swap3A_94 = arith.constant 0 : index
    %swap3A_95 = arith.constant 0 : index
    %swap3A_96 = vector.load %arg12[%swap3A_94, %swap3A_95] : memref<512x3xf32, #tpu.memory_space<vmem>>, vector<512x3xf32>
    tpu.vector_store %arg12[%swap3A_94, %swap3A_95], %div3A_93 {strides = array<i32>} : memref<512x3xf32, #tpu.memory_space<vmem>>, vector<512x3xf32>,
    return
  }
  func.func @transform_0(%arg0: i32) -> (i32, i32) {
    %c0_i32 = arith.constant 0 : i32
    %c0_i32_0 = arith.constant 0 : i32
    return %arg0, %c0_i32 : i32, i32
  }
  func.func @transform_1(%arg0: i32) -> (i32, i32) {
    %c0_i32 = arith.constant 0 : i32
    %c0_i32_0 = arith.constant 0 : i32
    return %arg0, %c0_i32 : i32, i32
  }
  func.func @transform_2(%arg0: i32) -> (i32, i32) {
    %c0_i32 = arith.constant 0 : i32
    %c0_i32_0 = arith.constant 0 : i32
    return %arg0, %c0_i32 : i32, i32
  }
  func.func @transform_3(%arg0: i32) -> (i32, i32) {
    %c0_i32 = arith.constant 0 : i32
    %c0_i32_0 = arith.constant 0 : i32
    return %arg0, %c0_i32 : i32, i32
  }
  func.func @transform_4(%arg0: i32) -> (i32, i32) {
    %c0_i32 = arith.constant 0 : i32
    %c0_i32_0 = arith.constant 0 : i32
    %c0_i32_1 = arith.constant 0 : i32
    return %c0_i32, %c0_i32_0 : i32, i32
  }
  func.func @transform_5(%arg0: i32) -> (i32, i32) {
    %c0_i32 = arith.constant 0 : i32
    %c0_i32_0 = arith.constant 0 : i32
    %c0_i32_1 = arith.constant 0 : i32
    return %c0_i32, %c0_i32_0 : i32, i32
  }
  func.func @transform_6(%arg0: i32) -> (i32, i32) {
    %c0_i32 = arith.constant 0 : i32
    %c0_i32_0 = arith.constant 0 : i32
    %c0_i32_1 = arith.constant 0 : i32
    return %c0_i32, %c0_i32_0 : i32, i32
  }
  func.func @transform_7(%arg0: i32) -> (i32, i32) {
    %c0_i32 = arith.constant 0 : i32
    %c0_i32_0 = arith.constant 0 : i32
    %c0_i32_1 = arith.constant 0 : i32
    return %c0_i32, %c0_i32_0 : i32, i32
  }
  func.func @transform_8(%arg0: i32) -> (i32, i32) {
    %c0_i32 = arith.constant 0 : i32
    %c0_i32_0 = arith.constant 0 : i32
    %c0_i32_1 = arith.constant 0 : i32
    return %c0_i32, %c0_i32_0 : i32, i32
  }
  func.func @transform_9(%arg0: i32) -> (i32, i32) {
    %c0_i32 = arith.constant 0 : i32
    %c0_i32_0 = arith.constant 0 : i32
    %c0_i32_1 = arith.constant 0 : i32
    return %c0_i32, %c0_i32_0 : i32, i32
  }
  func.func @transform_10(%arg0: i32) -> (i32, i32) {
    %c0_i32 = arith.constant 0 : i32
    %c0_i32_0 = arith.constant 0 : i32
    return %arg0, %c0_i32 : i32, i32
  }
  func.func @transform_11(%arg0: i32) -> (i32, i32) {
    %c0_i32 = arith.constant 0 : i32
    %c0_i32_0 = arith.constant 0 : i32
    return %arg0, %c0_i32 : i32, i32
  }
}

module attributes {stable_mosaic.version = 14 : i64} {
  func.func @_render_body(%arg0: memref<1024x4xf32, #tpu.memory_space<vmem>>, %arg1: memref<1024x4xf32, #tpu.memory_space<vmem>>, %arg2: memref<1024x12xf32, #tpu.memory_space<vmem>>, %arg3: memref<1024x3xf32, #tpu.memory_space<vmem>>) attributes {dimension_semantics = [], scalar_prefetch = 0 : i64, scratch_operands = 0 : i64, tpu.core_type = #tpu.core_type<tc>} {
    %get3A = arith.constant 0 : index
    %get3A_0 = arith.constant 0 : index
    %get3A_1 = vector.load %arg0[%get3A, %get3A_0] : memref<1024x4xf32, #tpu.memory_space<vmem>>, vector<1024x4xf32>
    %jit3A = arith.constant 0.000000e+00 : f32
    %jit3A_2 = arith.constant 1.000000e+06 : f32
    %max3A = vector.broadcast %jit3A : f32 to vector<1024x4xf32>
    %max3A_3 = arith.maximumf %max3A, %get3A_1 : vector<1024x4xf32>
    %min3A = vector.broadcast %jit3A_2 : f32 to vector<1024x4xf32>
    %min3A_4 = arith.minimumf %min3A, %max3A_3 : vector<1024x4xf32>
    %slice3A = vector.extract_strided_slice %min3A_4 {offsets = [0, 0], sizes = [1024, 1], strides = [1, 1]} : vector<1024x4xf32> to vector<1024x1xf32>
    %slice3A_5 = vector.extract_strided_slice %min3A_4 {offsets = [0, 1], sizes = [1024, 1], strides = [1, 1]} : vector<1024x4xf32> to vector<1024x1xf32>
    %slice3A_6 = vector.extract_strided_slice %min3A_4 {offsets = [0, 2], sizes = [1024, 1], strides = [1, 1]} : vector<1024x4xf32> to vector<1024x1xf32>
    %slice3A_7 = vector.extract_strided_slice %min3A_4 {offsets = [0, 3], sizes = [1024, 1], strides = [1, 1]} : vector<1024x4xf32> to vector<1024x1xf32>
    %min3A_8 = arith.minimumf %slice3A, %slice3A_5 : vector<1024x1xf32>
    %max3A_9 = arith.maximumf %slice3A, %slice3A_5 : vector<1024x1xf32>
    %min3A_10 = arith.minimumf %slice3A_6, %slice3A_7 : vector<1024x1xf32>
    %max3A_11 = arith.maximumf %slice3A_6, %slice3A_7 : vector<1024x1xf32>
    %min3A_12 = arith.minimumf %min3A_8, %min3A_10 : vector<1024x1xf32>
    %max3A_13 = arith.maximumf %min3A_8, %min3A_10 : vector<1024x1xf32>
    %min3A_14 = arith.minimumf %max3A_9, %max3A_11 : vector<1024x1xf32>
    %max3A_15 = arith.maximumf %max3A_9, %max3A_11 : vector<1024x1xf32>
    %min3A_16 = arith.minimumf %min3A_14, %max3A_13 : vector<1024x1xf32>
    %max3A_17 = arith.maximumf %min3A_14, %max3A_13 : vector<1024x1xf32>
    %sub3A = arith.subf %min3A_16, %min3A_12 : vector<1024x1xf32>
    %sub3A_18 = arith.subf %max3A_17, %min3A_16 : vector<1024x1xf32>
    %sub3A_19 = arith.subf %max3A_15, %max3A_17 : vector<1024x1xf32>
    %broadcast_in_dim3A = arith.constant 1.000000e+01 : f32
    %broadcast_in_dim3A_20 = vector.broadcast %broadcast_in_dim3A : f32 to vector<1024x1xf32>
    %get3A_21 = arith.constant 0 : index
    %get3A_22 = arith.constant 0 : index
    %get3A_23 = vector.load %arg1[%get3A_21, %get3A_22] : memref<1024x4xf32, #tpu.memory_space<vmem>>, vector<1024x4xf32>
    %slice3A_24 = vector.extract_strided_slice %get3A_23 {offsets = [0, 0], sizes = [1024, 1], strides = [1, 1]} : vector<1024x4xf32> to vector<1024x1xf32>
    %neg3A = arith.constant 0.000000e+00 : f32
    %neg3A_25 = vector.broadcast %neg3A : f32 to vector<1024x1xf32>
    %neg3A_26 = arith.subf %neg3A_25, %slice3A_24 : vector<1024x1xf32>
    %mul3A = arith.mulf %neg3A_26, %sub3A : vector<1024x1xf32>
    %exp3A = math.exp %mul3A : vector<1024x1xf32>
    %sub3A_27 = arith.constant 1.000000e+00 : f32
    %sub3A_28 = vector.broadcast %sub3A_27 : f32 to vector<1024x1xf32>
    %sub3A_29 = arith.subf %sub3A_28, %exp3A : vector<1024x1xf32>
    %slice3A_30 = vector.extract_strided_slice %get3A_23 {offsets = [0, 1], sizes = [1024, 1], strides = [1, 1]} : vector<1024x4xf32> to vector<1024x1xf32>
    %neg3A_31 = arith.constant 0.000000e+00 : f32
    %neg3A_32 = vector.broadcast %neg3A_31 : f32 to vector<1024x1xf32>
    %neg3A_33 = arith.subf %neg3A_32, %slice3A_30 : vector<1024x1xf32>
    %mul3A_34 = arith.mulf %neg3A_33, %sub3A_18 : vector<1024x1xf32>
    %exp3A_35 = math.exp %mul3A_34 : vector<1024x1xf32>
    %sub3A_36 = arith.constant 1.000000e+00 : f32
    %sub3A_37 = vector.broadcast %sub3A_36 : f32 to vector<1024x1xf32>
    %sub3A_38 = arith.subf %sub3A_37, %exp3A_35 : vector<1024x1xf32>
    %slice3A_39 = vector.extract_strided_slice %get3A_23 {offsets = [0, 2], sizes = [1024, 1], strides = [1, 1]} : vector<1024x4xf32> to vector<1024x1xf32>
    %neg3A_40 = arith.constant 0.000000e+00 : f32
    %neg3A_41 = vector.broadcast %neg3A_40 : f32 to vector<1024x1xf32>
    %neg3A_42 = arith.subf %neg3A_41, %slice3A_39 : vector<1024x1xf32>
    %mul3A_43 = arith.mulf %neg3A_42, %sub3A_19 : vector<1024x1xf32>
    %exp3A_44 = math.exp %mul3A_43 : vector<1024x1xf32>
    %sub3A_45 = arith.constant 1.000000e+00 : f32
    %sub3A_46 = vector.broadcast %sub3A_45 : f32 to vector<1024x1xf32>
    %sub3A_47 = arith.subf %sub3A_46, %exp3A_44 : vector<1024x1xf32>
    %slice3A_48 = vector.extract_strided_slice %get3A_23 {offsets = [0, 3], sizes = [1024, 1], strides = [1, 1]} : vector<1024x4xf32> to vector<1024x1xf32>
    %neg3A_49 = arith.constant 0.000000e+00 : f32
    %neg3A_50 = vector.broadcast %neg3A_49 : f32 to vector<1024x1xf32>
    %neg3A_51 = arith.subf %neg3A_50, %slice3A_48 : vector<1024x1xf32>
    %mul3A_52 = arith.mulf %neg3A_51, %broadcast_in_dim3A_20 : vector<1024x1xf32>
    %exp3A_53 = math.exp %mul3A_52 : vector<1024x1xf32>
    %sub3A_54 = arith.constant 1.000000e+00 : f32
    %sub3A_55 = vector.broadcast %sub3A_54 : f32 to vector<1024x1xf32>
    %sub3A_56 = arith.subf %sub3A_55, %exp3A_53 : vector<1024x1xf32>
    %broadcast_in_dim3A_57 = arith.constant 1.000000e+00 : f32
    %broadcast_in_dim3A_58 = vector.broadcast %broadcast_in_dim3A_57 : f32 to vector<1024x1xf32>
    %get3A_59 = arith.constant 0 : index
    %get3A_60 = arith.constant 0 : index
    %get3A_61 = vector.load %arg2[%get3A_59, %get3A_60] : memref<1024x12xf32, #tpu.memory_space<vmem>>, vector<1024x12xf32>
    %broadcast_in_dim3A_62 = arith.constant 0.000000e+00 : f32
    %broadcast_in_dim3A_63 = vector.broadcast %broadcast_in_dim3A_62 : f32 to vector<1024x3xf32>
    %broadcast_in_dim3A_64 = arith.constant 0.000000e+00 : f32
    %broadcast_in_dim3A_65 = vector.broadcast %broadcast_in_dim3A_64 : f32 to vector<1024x1xf32>
    %mul3A_66 = arith.mulf %sub3A_29, %broadcast_in_dim3A_58 : vector<1024x1xf32>
    %slice3A_67 = vector.extract_strided_slice %get3A_61 {offsets = [0, 0], sizes = [1024, 3], strides = [1, 1]} : vector<1024x12xf32> to vector<1024x3xf32>
    %mul3A_68 = vector.broadcast %mul3A_66 : vector<1024x1xf32> to vector<1024x3xf32>
    %mul3A_69 = arith.mulf %mul3A_68, %slice3A_67 : vector<1024x3xf32>
    %add3A = arith.addf %broadcast_in_dim3A_63, %mul3A_69 : vector<1024x3xf32>
    %add3A_70 = arith.addf %broadcast_in_dim3A_65, %mul3A_66 : vector<1024x1xf32>
    %sub3A_71 = arith.constant 1.000000e+00 : f32
    %sub3A_72 = vector.broadcast %sub3A_71 : f32 to vector<1024x1xf32>
    %sub3A_73 = arith.subf %sub3A_72, %sub3A_29 : vector<1024x1xf32>
    %add3A_74 = arith.constant 1.000000e-10 : f32
    %add3A_75 = vector.broadcast %add3A_74 : f32 to vector<1024x1xf32>
    %add3A_76 = arith.addf %sub3A_73, %add3A_75 : vector<1024x1xf32>
    %mul3A_77 = arith.mulf %broadcast_in_dim3A_58, %add3A_76 : vector<1024x1xf32>
    %mul3A_78 = arith.mulf %sub3A_38, %mul3A_77 : vector<1024x1xf32>
    %slice3A_79 = vector.extract_strided_slice %get3A_61 {offsets = [0, 3], sizes = [1024, 3], strides = [1, 1]} : vector<1024x12xf32> to vector<1024x3xf32>
    %mul3A_80 = vector.broadcast %mul3A_78 : vector<1024x1xf32> to vector<1024x3xf32>
    %mul3A_81 = arith.mulf %mul3A_80, %slice3A_79 : vector<1024x3xf32>
    %add3A_82 = arith.addf %add3A, %mul3A_81 : vector<1024x3xf32>
    %add3A_83 = arith.addf %add3A_70, %mul3A_78 : vector<1024x1xf32>
    %sub3A_84 = arith.constant 1.000000e+00 : f32
    %sub3A_85 = vector.broadcast %sub3A_84 : f32 to vector<1024x1xf32>
    %sub3A_86 = arith.subf %sub3A_85, %sub3A_38 : vector<1024x1xf32>
    %add3A_87 = arith.constant 1.000000e-10 : f32
    %add3A_88 = vector.broadcast %add3A_87 : f32 to vector<1024x1xf32>
    %add3A_89 = arith.addf %sub3A_86, %add3A_88 : vector<1024x1xf32>
    %mul3A_90 = arith.mulf %mul3A_77, %add3A_89 : vector<1024x1xf32>
    %mul3A_91 = arith.mulf %sub3A_47, %mul3A_90 : vector<1024x1xf32>
    %slice3A_92 = vector.extract_strided_slice %get3A_61 {offsets = [0, 6], sizes = [1024, 3], strides = [1, 1]} : vector<1024x12xf32> to vector<1024x3xf32>
    %mul3A_93 = vector.broadcast %mul3A_91 : vector<1024x1xf32> to vector<1024x3xf32>
    %mul3A_94 = arith.mulf %mul3A_93, %slice3A_92 : vector<1024x3xf32>
    %add3A_95 = arith.addf %add3A_82, %mul3A_94 : vector<1024x3xf32>
    %add3A_96 = arith.addf %add3A_83, %mul3A_91 : vector<1024x1xf32>
    %sub3A_97 = arith.constant 1.000000e+00 : f32
    %sub3A_98 = vector.broadcast %sub3A_97 : f32 to vector<1024x1xf32>
    %sub3A_99 = arith.subf %sub3A_98, %sub3A_47 : vector<1024x1xf32>
    %add3A_100 = arith.constant 1.000000e-10 : f32
    %add3A_101 = vector.broadcast %add3A_100 : f32 to vector<1024x1xf32>
    %add3A_102 = arith.addf %sub3A_99, %add3A_101 : vector<1024x1xf32>
    %mul3A_103 = arith.mulf %mul3A_90, %add3A_102 : vector<1024x1xf32>
    %mul3A_104 = arith.mulf %sub3A_56, %mul3A_103 : vector<1024x1xf32>
    %slice3A_105 = vector.extract_strided_slice %get3A_61 {offsets = [0, 9], sizes = [1024, 3], strides = [1, 1]} : vector<1024x12xf32> to vector<1024x3xf32>
    %mul3A_106 = vector.broadcast %mul3A_104 : vector<1024x1xf32> to vector<1024x3xf32>
    %mul3A_107 = arith.mulf %mul3A_106, %slice3A_105 : vector<1024x3xf32>
    %add3A_108 = arith.addf %add3A_95, %mul3A_107 : vector<1024x3xf32>
    %add3A_109 = arith.addf %add3A_96, %mul3A_104 : vector<1024x1xf32>
    %sub3A_110 = arith.constant 1.000000e+00 : f32
    %sub3A_111 = vector.broadcast %sub3A_110 : f32 to vector<1024x1xf32>
    %sub3A_112 = arith.subf %sub3A_111, %add3A_109 : vector<1024x1xf32>
    %add3A_113 = vector.broadcast %sub3A_112 : vector<1024x1xf32> to vector<1024x3xf32>
    %add3A_114 = arith.addf %add3A_108, %add3A_113 : vector<1024x3xf32>
    %swap3A = arith.constant 0 : index
    %swap3A_115 = arith.constant 0 : index
    %swap3A_116 = vector.load %arg3[%swap3A, %swap3A_115] : memref<1024x3xf32, #tpu.memory_space<vmem>>, vector<1024x3xf32>
    tpu.vector_store %arg3[%swap3A, %swap3A_115], %add3A_114 {strides = array<i32>} : memref<1024x3xf32, #tpu.memory_space<vmem>>, vector<1024x3xf32>,
    return
  }
}

</mosaic_0001>

<sc_bundles>
// kernel: kernel.6.cloned.1.call-start
scs
__scs_entry_jumppad:
0x0: {  	(pc) =	sbr.rel $0x88, $3  }
0x1: {  	(tag) =	ssettag $0x0;
	lr =	simm.s32 $0x1  }
0x2: {  	[smem:$0x3F95] =	sst lr;
	_ =	strace $0xD0000000  }
0x3: {  	_ = 	snop  }
0x4: {  	_ = 	snop  }
0x5: {  	_ = 	snop  }
0x6: {  	_ = 	snop  }
0x7: {  	_ = 	snop  }
__scs_overlays_trampoline_lowered:
0x8: {  	[smem:$0x3FA4] =	sst s0  }
0x9: {  	[smem:$0x3FA5] =	sst s1  }
0xa: {  	[smem:$0x3FA6] =	sst s2  }
0xb: {  	[smem:$0x3FA7] =	sst s3  }
0xc: {  	[smem:$0x3FA8] =	sst s4  }
0xd: {  	[smem:$0x3FA9] =	sst s5  }
0xe: {  	[smem:$0x3FAA] =	sst s6  }
0xf: {  	[smem:$0x3FAB] =	sst s7  }
0x10: {  	[smem:$0x3FAC] =	sst s8  }
0x11: {  	[smem:$0x3FAD] =	sst s9;
	s0 =	simm.s32 @!p0 $0x0  }
0x12: {  	s1 =	sld [smem:$0x3F93];
	s0 =	simm.s32 @p0 $0x1  }
0x13: {  	[smem:$0x3FAE] =	sst s0;
	s0 =	simm.s32 @!p1 $0x0  }
0x14: {  	s2 =	sld [smem:$0x3F92];
	s0 =	simm.s32 @p1 $0x1  }
0x15: {  	[smem:$0x3FAF] =	sst s0;
	s0 =	simm.s32 @!p2 $0x0  }
0x16: {  	s3 =	sld [smem:$0x3FDB];
	s0 =	simm.s32 @p2 $0x1  }
0x17: {  	s4 =	simm.s32 $0x1BF5;
	[smem:$0x3FB1] =	sst s0  }
0x18: {  	s0 =	sld [smem:$0x3F94];
	_ =	swait.ge [sflag:s4], $0x0  }
0x19: {  	s7 =	sld [smem:$0x3F95]  }
0x1a: {  	s8 =	sadd.s32 $0xFFFFE003, lr  }
0x1b: {  	s9 =	sadd.s32 $0xFFFFFEF7, lr;
	s5 =	simm.s32 $0xFFFFFFFF;
	p2 =	slt.u32 s8, $0xFFFFF086  }
0x1c: {  	p1 =	slt.u32 s9, $0xF7A;
	s5 =	simm.s32 @!p2 $0x0  }
0x1d: {  	s5 =	simm.s32 @p1 $0x1;
	p0 =	seq.s32 s7, s2  }
0x1e: {  	s7 =	smul.u32 @!p0 $0xF7A, s2;
	p2 =	seq.s32 @!p0 s5, $0x0  }
0x1f: {  	s9 =	smul.u32 $0xF7A, s1;
	s8 =	simm.s32 @!p0 $0x1BF5;
	p2 =	por !p2, p0  }
0x20: {  	[sflag:s8] =	ssyncset.s32 @!p0 $0xFFFFF086;
	s6 =	sadd.s32 @!p0 s3, s7;
	s7 =	simm.s32 @!p0 $0x108  }
0x21: {  	s3 =	sadd.s32 s3, s9;
	s6 =	sadd.s32 @!p0 $0x88, s6;
	s7 =	simm.s32 @p2 $0x1082  }
0x22: {  	[simem:s7], [sflag:s8] =	dma.local @!p0 [hbm:s6], $0xF7A  }
0x23: {  	s9 =	sor.u32 $0xD0000000, s2;
	s6 =	simm.s32 $0x108;
	_ =	swait.ge @!p0 [sflag:s8], $0x0  }
0x24: {  	s3 =	sadd.s32 $0x88, s3;
	s6 =	simm.s32 @!p1 $0x1082;
	[sflag:s4] =	ssyncset.s32 $0xFFFFF086  }
0x25: {  	[simem:s6], [sflag:s4] =	dma.local [hbm:s3], $0xF7A  }
0x26: {  	[smem:$0x3F95] =	sst s1;
	(tag) =	ssettag s2;
	_ =	strace s9  }
0x27: {  	s1 =	sld [smem:$0x3FA5]  }
0x28: {  	s2 =	sld [smem:$0x3FA6]  }
0x29: {  	s4 =	sld [smem:$0x3FA8]  }
0x2a: {  	p0 =	seq.s32 s5, $0x0;
	s5 =	sld [smem:$0x3FA9]  }
0x2b: {  	s6 =	sld [smem:$0x3FAA]  }
0x2c: {  	s7 =	sld [smem:$0x3FAB]  }
0x2d: {  	s3 =	simm.s32 $0x108;
	s8 =	sld [smem:$0x3FAC]  }
0x2e: {  	s3 =	simm.s32 @!p0 $0x1082;
	s9 =	sld [smem:$0x3FAD]  }
0x2f: {  	lr =	sadd.s32 s0, s3;
	s0 =	sld [smem:$0x3FA4]  }
0x30: {  	s3 =	sld [smem:$0x3FA7]  }
0x31: {  	[smem:$0x3FB0] =	sst s10  }
0x32: {  	s10 =	sld [smem:$0x3FAE];
	_ =	sdelay $0x3  }
0x33: {  	p0 =	seq.s32 s10, $0x1;
	s10 =	sld [smem:$0x3FB0];
	_ =	sdelay $0x3  }
0x34: {  	[smem:$0x3FB0] =	sst s10  }
0x35: {  	s10 =	sld [smem:$0x3FAF];
	_ =	sdelay $0x3  }
0x36: {  	p1 =	seq.s32 s10, $0x1;
	s10 =	sld [smem:$0x3FB0];
	_ =	sdelay $0x3  }
0x37: {  	[smem:$0x3FB0] =	sst s10  }
0x38: {  	s10 =	sld [smem:$0x3FB1]  }
0x39: {  	_ = 	snop;
	(pc) =	sbr.ind lr, $3  }
0x3a: {  	_ = 	snop  }
0x3b: {  	_ = 	snop  }
0x3c: {  	p2 =	seq.s32 s10, $0x1;
	s10 =	sld [smem:$0x3FB0]  }
0x3d: {  	_ =	shalt  }
0x3e: {  	_ =	shalt  }
0x3f: {  	_ =	shalt  }
0x40: {  	_ =	shalt  }
0x41: {  	_ =	shalt  }
0x42: {  	_ =	shalt  }
0x43: {  	_ =	shalt  }
0x44: {  	_ =	shalt  }
0x45: {  	_ =	shalt  }
0x46: {  	_ =	shalt  }
0x47: {  	_ =	shalt  }
0x48: {  	_ =	shalt  }
0x49: {  	_ =	shalt  }
0x4a: {  	_ =	shalt  }
0x4b: {  	_ =	shalt  }
0x4c: {  	_ =	shalt  }
0x4d: {  	_ =	shalt  }
0x4e: {  	_ =	shalt  }
0x4f: {  	_ =	shalt  }
0x50: {  	_ =	shalt  }
0x51: {  	_ =	shalt  }
0x52: {  	_ =	shalt  }
0x53: {  	_ =	shalt  }
0x54: {  	_ =	shalt  }
0x55: {  	_ =	shalt  }
0x56: {  	_ =	shalt  }
0x57: {  	_ =	shalt  }
0x58: {  	_ =	shalt  }
0x59: {  	_ =	shalt  }
0x5a: {  	_ =	shalt  }
0x5b: {  	_ =	shalt  }
0x5c: {  	_ =	shalt  }
0x5d: {  	_ =	shalt  }
0x5e: {  	_ =	shalt  }
0x5f: {  	_ =	shalt  }
0x60: {  	_ =	shalt  }
0x61: {  	_ =	shalt  }
0x62: {  	_ =	shalt  }
0x63: {  	_ =	shalt  }
0x64: {  	_ =	shalt  }
0x65: {  	_ =	shalt  }
0x66: {  	_ =	shalt  }
0x67: {  	_ =	shalt  }
0x68: {  	_ =	shalt  }
0x69: {  	_ =	shalt  }
0x6a: {  	_ =	shalt  }
0x6b: {  	_ =	shalt  }
0x6c: {  	_ =	shalt  }
0x6d: {  	_ =	shalt  }
0x6e: {  	_ =	shalt  }
0x6f: {  	_ =	shalt  }
0x70: {  	_ =	shalt  }
0x71: {  	_ =	shalt  }
0x72: {  	_ =	shalt  }
0x73: {  	_ =	shalt  }
0x74: {  	_ =	shalt  }
0x75: {  	_ =	shalt  }
0x76: {  	_ =	shalt  }
0x77: {  	_ =	shalt  }
0x78: {  	_ =	shalt  }
0x79: {  	_ =	shalt  }
0x7a: {  	_ =	shalt  }
0x7b: {  	_ =	shalt  }
0x7c: {  	_ =	shalt  }
0x7d: {  	_ =	shalt  }
0x7e: {  	_ =	shalt  }
0x7f: {  	_ =	shalt  }
0x80: {  	_ =	shalt  }
0x81: {  	_ =	shalt  }
0x82: {  	_ =	shalt  }
0x83: {  	_ =	shalt  }
0x84: {  	_ =	shalt  }
0x85: {  	_ =	shalt  }
0x86: {  	_ =	shalt  }
0x87: {  	_ =	shalt  }
.Lfunc_end0:
.L_simem_size_0:
called_computation_lowered:
.L_overlay_start_0:
0x88: {  	s2 =	sld [smem:$0x3FD9]  }
0x89: {  	s3 =	sld [smem:$0x3FFE];
	_ =	sdelay $0x1  }
0x8a: {  	s1 =	srdreg.scid  }
0x8b: {  	s0 =	sand.u32 $0x1, s1  }
0x8c: {  	s16 =	sshll.u32 s0, $0xA;
	s2 =	sadd.s32 s3, s2  }
0x8d: {  	s2 =	sadd.s32 s2, s16  }
0x8e: {  	[smem:$0x3FBC] =	sst s2  }
0x8f: {  	_ = 	snop  }
0x90: {  	(tm) =	ssettm $0x1  }
0x91: {  	s17 =	sld [smem:$0x3FFB];
	_ =	sdelay $0x3  }
0x92: {  	_ =	strace s17  }
0x93: {  	s2 =	sld [smem:$0x3FFC];
	_ =	sdelay $0x3  }
0x94: {  	_ =	strace s2  }
0x95: {  	s2 =	sld [smem:$0x3FFD];
	_ =	sdelay $0x3  }
0x96: {  	_ =	strace s2  }
0x97: {  	_ =	strace $0x8FFFFFFF  }
0x98: {  	s18 =	sld [smem:$0x3FDB];
	_ =	sdelay $0x1  }
0x99: {  	s19 =	simm.s32 $_scs_section_size  }
0x9a: {  	s4 =	simm.s32 $_size__tile_overlayer_lowered;
	s5 =	simm.s32 $_tile_overlayer_lowered  }
0x9b: {  	s22 =	simm.s32 $0x1BFF;
	s21 =	sshll.u32 s5, $0x1;
	s2 =	sadd.s32 s19, s18  }
0x9c: {  	s6 =	simm.s32 $0x0;
	s20 =	sshll.u32 s4, $0x1;
	s4 =	sadd.s32 s21, s2  }
0x9d: {  	[timem:s6], [sflag:s22] =	dma.local [hbm:s4], s20  }
0x9e: {  	_ =	swait.ge [sflag:s22], s20  }
0x9f: {  	s3 =	ssub.s32 $0x0, s20;
	[sflag:s22] =	ssyncset.done $0x0  }
0xa0: {  	[sflag:s22] =	ssyncadd.s32 s3;
	_ =	sdelay $0x1  }
0xa1: {  	s23 =	simm.s32 $0x1B8B  }
0xa2: {  	_ =	swait.ge [sflag:s23], $0x1  }
0xa3: {  	[sflag:s23] =	ssyncset.done $0x0  }
0xa4: {  	s25 =	simm.s32 $0x1B8E;
	s24 =	sld [smem:$0x3FFE];
	[sflag:s23] =	ssyncadd.s32 $0xFFFFFFFF  }
0xa5: {  	s26 =	simm.s32 $execute0_lowered;
	[smem:$0x3FD2] =	sst s25  }
0xa6: {  	s4 =	sshll.u32 s26, $0x1;
	_ =	strace $0x80000046;
	[dreg:$0x1] =	wrdreg $0xFFFFFFFF  }
0xa7: {  	s28 =	simm.s32 $_size_execute0_lowered;
	s2 =	sadd.s32 s2, s4;
	[dreg:$0x0] =	wrdreg $0x0  }
0xa8: {  	s4 =	sshll.u32 s28, $0x1;
	[dreg:$0x2] =	wrdreg s2  }
0xa9: {  	[dreg:$0x3] =	wrdreg s4  }
0xaa: {  	[dreg:$0x4] =	wrdreg $0xC0  }
0xab: {  	_ =	task [dreg:s6], $0x5FFFF  }
0xac: {  	[dreg:$0x1] =	wrdreg $0xFFFFFFFF  }
0xad: {  	[dreg:$0x0] =	wrdreg $0x60  }
0xae: {  	[dreg:$0x2] =	wrdreg s24  }
0xaf: {  	[dreg:$0x3] =	wrdreg $0x9  }
0xb0: {  	_ =	task.clear_ibuf [dreg:s6], $0x4FFFF;
	_ =	strace $0x90000046  }
0xb1: {  	s29 =	simm.s32 $0x9;
	_ =	strace $0x80000048  }
0xb2: {  	_ =	swait.ge [sflag:s29], $0x1  }
0xb3: {  	[sflag:s29] =	ssyncadd.s32 $0xFFFFFFFF  }
0xb4: {  	_ =	strace $0x90000048  }
0xb5: {  	_ =	sfence  }
0xb6: {  	s30 =	sld [smem:$0x0];
	_ =	sdelay $0x2  }
0xb7: {  	s31 =	sshll.u32 s1, $0xD;
	s1 =	sshrl.u32 s1, $0x2  }
0xb8: {  	s3 =	sand.u32 $0x4000, s31;
	s1 =	sadd.s32 s1, s30  }
0xb9: {  	s0 =	sor.u32 s3, s0;
	s1 =	sshll.u32 s1, $0x11  }
0xba: {  	s0 =	sor.u32 s1, s0  }
0xbb: {  	s0 =	sadd.s32 $0x8F2B, s0  }
0xbc: {  	[sflag:s0] =	ssyncadd.remote.s32 $0x1  }
0xbd: {  	_ =	sfence.sel $0xFFFF  }
0xbe: {  	[dreg:$0x0] =	wrdreg $0xFFFFFFFF;
	(pc) =	sbr.abs _section_cstart, $3  }
0xbf: {  	[dreg:$0x1] =	wrdreg $0xFFFFFFFF  }
0xc0: {  	_ =	task.clear_ibuf [dreg:s6], $0x2FFFF;
	_ =	strace $0x9FFFFFFF  }
0xc1: {  	(tm) =	ssettm $0x7FFFFFFF  }
tec
execute0_lowered:
.L_overlay_start_1:
0x0: {  	(tag) =	ssettag $0x1  }
0x1: {  	s1 =	srdreg.scid  }
0x2: {  	s0 =	stileid.u32;
	s6 =	sand.u32 $0x1, s1  }
0x3: {  	s8 =	rddreg [dreg:$0x0];
	s30 =	sshll.u32 s0, $0xB;
	s2 =	sshll.u32 s6, $0xA  }
0x4: {  	s1 =	rddreg [dreg:$0x1];
	s5 =	sadd.s32 $0x187E00, s8;
	s7 =	sor.u32 s2, s30  }
0x5: {  	s10 =	ssub.s32 $0x2, s6;
	s2 =	simm.s32 $0x0;
	s3 =	sshrl.u32 s7, $0x3  }
0x6: {  	s6 =	simm.s32 $0x400;
	[smem:$0x7FF] =	sst s2;
	s3 =	sadd.s32 s3, s8  }
0x7: {  	_ =	strace $0x80000047;
	s4 =	sadd.s32 $0x1400, s3;
	s3 =	simm.s32 $0x2  }
0x8: {  	[tilespmem:s2], [sflag:$0x2] =	stream.linear.gather [hbm4b:s4+s2], $0x400, $0x38;
	[tilespmem:$0xC400] =	vst v63  }
0x9: {  	s11 =	sshrl.u32 s10, $0x1;
	s9 =	smul.u32 $0x6, s7;
	_ =	swait.ge [sflag:s3], $0x400  }
0xa: {  	s7 =	simm.s32 $0x1;
	s31 =	ssub.s32 s10, s11;
	[sflag:s3] =	ssyncset.done $0x0  }
0xb: {  	s8 =	sadd.s32 s9, s8;
	s9 =	smax.u32 s31, $0x1;
	[sflag:s3] =	ssyncadd.s32 $0xFFFFFC00  }
0xc: {  	[tilespmem:s6], [sflag:$0x1] =	stream.indirect.gather [hbm4b:s5+s6], $0x30, s2, s6, $0xb8;
	[tilespmem:$0xC400] =	vst v63  }
0xd: {  	p0 =	sne.s32 s9, $0x1;
	_ =	swait.ge [sflag:s7], $0xC000  }
.Ltmp0:
0xe: {  	[sflag:s7] =	ssyncset.done $0x0;
	(pc) =	sbr.rel @!p0 .LBB2_2-.Ltmp0, $4  }
0xf: {  	s8 =	sadd.s32 $0x2400, s8;
	[sflag:s7] =	ssyncadd.s32 $0xFFFF4000  }
0x10: {  	[hbm4b:s8+s2] =	stream.linear.scatter [tilespmem:s6], [sflag:$0x2], $0xC000, $0x38;
	[tilespmem:$0xC400] =	vst v63  }
0x11: {  	_ =	swait.ge [sflag:s3], $0xC000  }
0x12: {  	s9 =	sadd.s32 $0xFFFFFFFF, s9;
	[sflag:s3] =	ssyncset.done $0x0  }
.LBB2_1:
0x13: {  	p0 =	sne.s32 s9, $0x1;
	s9 =	sadd.s32 $0xFFFFFFFF, s9;
	[sflag:s3] =	ssyncadd.s32 $0xFFFF4000  }
0x14: {  	[tilespmem:s2], [sflag:$0x2] =	stream.linear.gather [hbm4b:s4+s2], $0x400, $0x38;
	[tilespmem:$0xC400] =	vst v63  }
0x15: {  	_ =	swait.ge [sflag:s3], $0x400  }
0x16: {  	[sflag:s3] =	ssyncset.done $0x0  }
0x17: {  	[sflag:s3] =	ssyncadd.s32 $0xFFFFFC00  }
0x18: {  	[tilespmem:s6], [sflag:$0x1] =	stream.indirect.gather [hbm4b:s5+s6], $0x30, s2, s6, $0xb8;
	[tilespmem:$0xC400] =	vst v63  }
0x19: {  	_ =	swait.ge [sflag:s7], $0xC000  }
.Ltmp1:
0x1a: {  	[sflag:s7] =	ssyncset.done $0x0;
	(pc) =	sbr.rel @p0 .LBB2_1-.Ltmp1, $4  }
0x1b: {  	[sflag:s7] =	ssyncadd.s32 $0xFFFF4000  }
0x1c: {  	[hbm4b:s8+s2] =	stream.linear.scatter [tilespmem:s6], [sflag:$0x2], $0xC000, $0x38;
	[tilespmem:$0xC400] =	vst v63  }
0x1d: {  	_ =	swait.ge [sflag:s3], $0xC000  }
0x1e: {  	[sflag:s3] =	ssyncset.done $0x0  }
.LBB2_2:
0x1f: {  	[sflag:s3] =	ssyncadd.s32 $0xFFFF4000  }
0x20: {  	_ =	sfence.sel $0x180000  }
0x21: {  	[bflag:$0x0] =	sbarrier.arrive $0xFFFF  }
0x22: {  	p0 =	sne.s32 s0, $0x0;
	_ =	strace $0x90000047  }
0x23: {  	s0 =	sadd.s32 @!p0 $0x100000, s1;
	[bflag:$0x2] =	sbarrier.arrive $0xFFFF  }
0x24: {  	[sflag:s0] =	ssyncadd.tile.s32 @!p0 $0x1;
	_ =	shalt  }
.Lfunc_end2:
_tile_overlayer_lowered:
.L_overlay_start_2:
0x25: {  	(tag) =	ssettag $0x2  }
0x26: {  	s0 =	rddreg [dreg:$0x0];
	s2 =	stileid.u32  }
0x27: {  	s1 =	rddreg [dreg:$0x1];
	p0 =	sne.s32 s2, $0x0  }
0x28: {  	s3 =	rddreg [dreg:$0x2];
	[bflag:$0x3] =	sbarrier.arrive $0xFFFF;
	s2 =	simm.s32 @!p0 $0x1C02  }
0x29: {  	[timem:s3], [sflag:s2] =	dma.local @!p0 [hbm:s0], s1  }
0x2a: {  	s0 =	simm.s32 @!p0 $0x2  }
0x2b: {  	_ =	swait.ge @!p0 [sflag:s0], s1  }
0x2c: {  	s1 =	ssub.s32 @!p0 $0x0, s1;
	[sflag:s0] =	ssyncset.done @!p0 $0x0  }
0x2d: {  	[sflag:s0] =	ssyncadd.s32 @!p0 s1  }
0x2e: {  	[bflag:$0x3] =	sbarrier.arrive $0xFFFF  }
0x2f: {  	_ =	shalt  }

</sc_bundles>
